<compile_context>
chip_gen: v7x
topology: tpu7x:2x2x1
jax: 0.10.2.dev20260603
libtpu: 0.0.44.dev20260713+nightly
codegen_flags: <defaults>
</compile_context>

<pallas_src>
import functools

import jax
import jax.numpy as jnp
from jax import lax
from jax.experimental import pallas as pl
from jax.experimental.pallas import tpu as pltpu
from jax.experimental.pallas import tpu_sc as plsc

N = 4096
D0 = 1024
D1 = 512
TOPK = 6
BLK = 256
NBLK = N // BLK
SCALE = D1 ** (-0.5)
NEG_SLOPE = 0.01


def _leaky_relu(v):
    return jnp.where(v >= 0, v, NEG_SLOPE * v)


def _fc1_body(x_ref, w_ref, b_ref, x1_ref, cs_ref):
    i = pl.program_id(0)
    x1 = jnp.maximum(
        jnp.dot(x_ref[...], w_ref[...], preferred_element_type=jnp.float32)
        + b_ref[...], 0.0)
    x1_ref[...] = x1

    @pl.when(i == 0)
    def _():
        cs_ref[...] = jnp.zeros_like(cs_ref)

    cs_ref[...] += jnp.sum(x1, axis=0, keepdims=True)


def _fc1(x, w1t, b1):
    return pl.pallas_call(
        _fc1_body,
        grid=(NBLK,),
        in_specs=[
            pl.BlockSpec((BLK, D0), lambda i: (i, 0)),
            pl.BlockSpec((D0, D1), lambda i: (0, 0)),
            pl.BlockSpec((1, D1), lambda i: (0, 0)),
        ],
        out_specs=[
            pl.BlockSpec((BLK, D1), lambda i: (i, 0)),
            pl.BlockSpec((1, D1), lambda i: (0, 0)),
        ],
        out_shape=[
            jax.ShapeDtypeStruct((N, D1), jnp.float32),
            jax.ShapeDtypeStruct((1, D1), jnp.float32),
        ],
    )(x, w1t, b1)


def _heads_body(x1_ref, cs_ref, wht_ref, bh_ref, wtt_ref, bt_ref,
                eh_ref, et_ref):
    mean = cs_ref[...] * (1.0 / N)
    x2 = (x1_ref[...] + mean) * 0.5
    eh_ref[...] = jnp.dot(x2, wht_ref[...],
                          preferred_element_type=jnp.float32) + bh_ref[...]
    et_ref[...] = jnp.dot(x2, wtt_ref[...],
                          preferred_element_type=jnp.float32) + bt_ref[...]


def _heads(x1, cs, wht, bh, wtt, bt):
    return pl.pallas_call(
        _heads_body,
        grid=(NBLK,),
        in_specs=[
            pl.BlockSpec((BLK, D1), lambda i: (i, 0)),
            pl.BlockSpec((1, D1), lambda i: (0, 0)),
            pl.BlockSpec((D1, D1), lambda i: (0, 0)),
            pl.BlockSpec((1, D1), lambda i: (0, 0)),
            pl.BlockSpec((D1, D1), lambda i: (0, 0)),
            pl.BlockSpec((1, D1), lambda i: (0, 0)),
        ],
        out_specs=[
            pl.BlockSpec((BLK, D1), lambda i: (i, 0)),
            pl.BlockSpec((BLK, D1), lambda i: (i, 0)),
        ],
        out_shape=[
            jax.ShapeDtypeStruct((N, D1), jnp.float32),
            jax.ShapeDtypeStruct((N, D1), jnp.float32),
        ],
    )(x1, cs, wht, bh, wtt, bt)


def _topk_body(eh_ref, et_ref, idx_ref):
    ehs = eh_ref[...] * SCALE
    logits = lax.dot_general(
        ehs, et_ref[...],
        dimension_numbers=(((1,), (1,)), ((), ())),
        preferred_element_type=jnp.float32)
    iota = lax.broadcasted_iota(jnp.int32, (BLK, N), 1)
    vals = logits
    cols = []
    for _ in range(TOPK):
        m = jnp.max(vals, axis=1, keepdims=True)
        cand = jnp.where(vals == m, iota, N)
        idx = jnp.min(cand, axis=1, keepdims=True)
        cols.append(idx)
        vals = jnp.where(iota == idx, -jnp.inf, vals)
    idx_ref[...] = jnp.concatenate(cols, axis=1)


def _topk(e_h, e_t):
    return pl.pallas_call(
        _topk_body,
        grid=(NBLK,),
        in_specs=[
            pl.BlockSpec((BLK, D1), lambda i: (i, 0)),
            pl.BlockSpec((N, D1), lambda i: (0, 0)),
        ],
        out_specs=pl.BlockSpec((BLK, TOPK), lambda i: (i, 0)),
        out_shape=jax.ShapeDtypeStruct((N, TOPK), jnp.int32),
    )(e_h, e_t)


_SC_NC = 2
_SC_NS = 16
_SC_NW = _SC_NC * _SC_NS
_SC_B = TOPK * N
_SC_BPW = _SC_B // _SC_NW
_SC_R = 96


def _sc_gather_body(table_hbm, idx_hbm, out_hbm, idx_v,
                    rows0, rows1, gs0, gs1, ss0, ss1):
    wid = lax.axis_index("s") * _SC_NC + lax.axis_index("c")
    base = wid * _SC_BPW
    pltpu.sync_copy(idx_hbm.at[pl.ds(base, _SC_BPW)], idx_v)
    bufs = (rows0, rows1)
    gsems = (gs0, gs1)
    ssems = (ss0, ss1)
    nch = _SC_BPW // _SC_R
    g = [None] * nch
    s = [None] * nch
    for c in range(nch):
        if c >= 2:
            s[c - 2].wait()
        g[c] = pltpu.async_copy(
            table_hbm.at[idx_v.at[pl.ds(c * _SC_R, _SC_R)]],
            bufs[c % 2], gsems[c % 2])
        if c >= 1:
            g[c - 1].wait()
            s[c - 1] = pltpu.async_copy(
                bufs[(c - 1) % 2],
                out_hbm.at[pl.ds(base + (c - 1) * _SC_R, _SC_R)],
                ssems[(c - 1) % 2])
    g[nch - 1].wait()
    s[nch - 1] = pltpu.async_copy(
        bufs[(nch - 1) % 2],
        out_hbm.at[pl.ds(base + (nch - 1) * _SC_R, _SC_R)],
        ssems[(nch - 1) % 2])
    s[nch - 2].wait()
    s[nch - 1].wait()


def _sc_gather(table, idx_flat):
    mesh = plsc.VectorSubcoreMesh(core_axis_name="c", subcore_axis_name="s")
    fn = functools.partial(
        pl.kernel,
        out_type=jax.ShapeDtypeStruct((_SC_B, D1), jnp.float32),
        mesh=mesh,
        scratch_types=[
            pltpu.VMEM((_SC_BPW,), jnp.int32),
            pltpu.VMEM((_SC_R, D1), jnp.float32),
            pltpu.VMEM((_SC_R, D1), jnp.float32),
            pltpu.SemaphoreType.DMA,
            pltpu.SemaphoreType.DMA,
            pltpu.SemaphoreType.DMA,
            pltpu.SemaphoreType.DMA,
        ],
    )(_sc_gather_body)
    return fn(table, idx_flat)


def _gate_body(eh_ref, nb_ref, wl1t_ref, bl1_ref, wl2t_ref, bl2_ref,
               wa1t_ref, ba1_ref, wa2t_ref, ba2_ref, h_ref, att_ref):
    eh = eh_ref[...]
    nbs = [nb_ref[k] for k in range(TOPK)]
    tw = jnp.concatenate(
        [SCALE * jnp.sum(eh * nb, axis=1, keepdims=True) for nb in nbs],
        axis=1)
    tw_m = jnp.max(tw, axis=1, keepdims=True)
    tw_e = jnp.exp(tw - tw_m)
    tp = tw_e / jnp.sum(tw_e, axis=1, keepdims=True)
    kas = []
    for k in range(TOPK):
        p = tp[:, k:k + 1]
        gate = jnp.tanh((2.0 - p) * eh + p * nbs[k])
        kas.append(jnp.sum(nbs[k], axis=1, keepdims=True)
                   * jnp.sum(gate, axis=1, keepdims=True))
    ka = jnp.concatenate(kas, axis=1)
    ka_m = jnp.max(ka, axis=1, keepdims=True)
    ka_e = jnp.exp(ka - ka_m)
    kp = ka_e / jnp.sum(ka_e, axis=1, keepdims=True)
    e_nh = kp[:, 0:1] * nbs[0]
    for k in range(1, TOPK):
        e_nh += kp[:, k:k + 1] * nbs[k]
    se = _leaky_relu(jnp.dot(eh + e_nh, wl1t_ref[...],
                             preferred_element_type=jnp.float32) + bl1_ref[...])
    be = _leaky_relu(jnp.dot(eh * e_nh, wl2t_ref[...],
                             preferred_element_type=jnp.float32) + bl2_ref[...])
    h = se + be
    h_ref[...] = h
    a1 = _leaky_relu(jnp.dot(h, wa1t_ref[...],
                             preferred_element_type=jnp.float32) + ba1_ref[...])
    att_ref[...] = jnp.dot(a1, wa2t_ref[...],
                           preferred_element_type=jnp.float32) + ba2_ref[...]


def _gate(e_h, nb, wl1t, bl1, wl2t, bl2, wa1t, ba1, wa2t, ba2):
    return pl.pallas_call(
        _gate_body,
        grid=(NBLK,),
        in_specs=[
            pl.BlockSpec((BLK, D1), lambda i: (i, 0)),
            pl.BlockSpec((TOPK, BLK, D1), lambda i: (0, i, 0)),
            pl.BlockSpec((D1, D1), lambda i: (0, 0)),
            pl.BlockSpec((1, D1), lambda i: (0, 0)),
            pl.BlockSpec((D1, D1), lambda i: (0, 0)),
            pl.BlockSpec((1, D1), lambda i: (0, 0)),
            pl.BlockSpec((D1, D1 // 2), lambda i: (0, 0)),
            pl.BlockSpec((1, D1 // 2), lambda i: (0, 0)),
            pl.BlockSpec((D1 // 2, 1), lambda i: (0, 0)),
            pl.BlockSpec((1, 1), lambda i: (0, 0)),
        ],
        out_specs=[
            pl.BlockSpec((BLK, D1), lambda i: (i, 0)),
            pl.BlockSpec((BLK, 1), lambda i: (i, 0)),
        ],
        out_shape=[
            jax.ShapeDtypeStruct((N, D1), jnp.float32),
            jax.ShapeDtypeStruct((N, 1), jnp.float32),
        ],
    )(e_h, nb, wl1t, bl1, wl2t, bl2, wa1t, ba1, wa2t, ba2)


def _readout_body(h_ref, att_ref, lnw_ref, lnb_ref, wfct_ref, bfc_ref,
                  out_ref, prob_ref, yhat_ref):
    att = att_ref[...]
    am = jnp.max(att, axis=0, keepdims=True)
    ae = jnp.exp(att - am)
    aw = ae / jnp.sum(ae, axis=0, keepdims=True)
    ws = jnp.sum(aw * h_ref[...], axis=0, keepdims=True)
    mu = jnp.mean(ws, axis=1, keepdims=True)
    var = jnp.mean((ws - mu) ** 2, axis=1, keepdims=True)
    hn = (ws - mu) / jnp.sqrt(var + 1e-5) * lnw_ref[...] + lnb_ref[...]
    logit = jnp.dot(hn, wfct_ref[...],
                    preferred_element_type=jnp.float32) + bfc_ref[...]
    out_ref[...] = logit
    lm = jnp.max(logit, axis=1, keepdims=True)
    le = jnp.exp(logit - lm)
    prob_ref[...] = le / jnp.sum(le, axis=1, keepdims=True)
    yhat_ref[...] = jnp.where(logit[0:1, 1:2] > logit[0:1, 0:1], 1, 0
                              ).astype(jnp.int32)


def _readout(h, att, ln_w2, ln_b2, wfct, bfc):
    return pl.pallas_call(
        _readout_body,
        grid=(1,),
        in_specs=[
            pl.BlockSpec((N, D1), lambda i: (0, 0)),
            pl.BlockSpec((N, 1), lambda i: (0, 0)),
            pl.BlockSpec((1, D1), lambda i: (0, 0)),
            pl.BlockSpec((1, D1), lambda i: (0, 0)),
            pl.BlockSpec((D1, 2), lambda i: (0, 0)),
            pl.BlockSpec((1, 2), lambda i: (0, 0)),
        ],
        out_specs=[
            pl.BlockSpec((1, 2), lambda i: (0, 0)),
            pl.BlockSpec((1, 2), lambda i: (0, 0)),
            pl.BlockSpec((1, 1), lambda i: (0, 0)),
        ],
        out_shape=[
            jax.ShapeDtypeStruct((1, 2), jnp.float32),
            jax.ShapeDtypeStruct((1, 2), jnp.float32),
            jax.ShapeDtypeStruct((1, 1), jnp.int32),
        ],
    )(h, att, ln_w2, ln_b2, wfct, bfc)


def kernel(x, w1, b1, wh, bh, wt, bt, wl1, bl1, wl2, bl2,
           wa1, ba1, wa2, ba2, wfc, bfc, ln_w, ln_b):
    w1t = w1.T
    wht, wtt = wh.T, wt.T
    wl1t, wl2t = wl1.T, wl2.T
    wa1t, wa2t = wa1.T, wa2.T
    wfct = wfc.T
    b1r = b1[None]
    bhr, btr = bh[None], bt[None]
    bl1r, bl2r = bl1[None], bl2[None]
    ba1r, ba2r = ba1[None], ba2[None]
    bfcr = bfc[None]
    lnwr, lnbr = ln_w[None], ln_b[None]

    x1, cs = _fc1(x, w1t, b1r)
    e_h, e_t = _heads(x1, cs, wht, bhr, wtt, btr)
    idx = _topk(e_h, e_t)
    idx_flat = idx.T.reshape(-1)
    nb_flat = _sc_gather(e_t, idx_flat)
    nb = nb_flat.reshape(TOPK, N, D1)
    h, att = _gate(e_h, nb, wl1t, bl1r, wl2t, bl2r, wa1t, ba1r, wa2t, ba2r)
    out, prob, yhat = _readout(h, att, lnwr, lnbr, wfct, bfcr)
    return out, prob, yhat

# --- scband reference (transcript-rebuilt; emitter-appended) ---
"""Pipeline reference for scband-wi-kg-6012954214888 (READ-ONLY COPY).

The authoritative reference and input builder live on the scoring server;
editing this copy changes nothing except your own understanding.
"""

import jax, jax.numpy as jnp
import numpy as np

N = 4096
D0, D1 = 1024, 512
TOPK = 6
N_CLASSES = 2


def setup_inputs(seed: int = 0) -> dict:
    key = jax.random.key(seed)
    ks = jax.random.split(key, 12)

    def lin(k, din, dout):
        w = (jax.random.normal(k, (dout, din), dtype=jnp.float32) * 0.02)
        b = jnp.zeros((dout,), dtype=jnp.float32)
        return w, b

    w1, b1 = lin(ks[0], D0, D1)
    wh, bh = lin(ks[1], D1, D1)
    wt, bt = lin(ks[2], D1, D1)
    wl1, bl1 = lin(ks[3], D1, D1)
    wl2, bl2 = lin(ks[4], D1, D1)
    wa1, ba1 = lin(ks[5], D1, D1 // 2)
    wa2, ba2 = lin(ks[6], D1 // 2, 1)
    wfc, bfc = lin(ks[7], D1, N_CLASSES)
    ln_w = jnp.ones((D1,), dtype=jnp.float32)
    ln_b = jnp.zeros((D1,), dtype=jnp.float32)
    x = jax.random.normal(ks[8], (N, D0), dtype=jnp.float32)
    return {
        'x': x,
        'w1': w1, 'b1': b1,
        'wh': wh, 'bh': bh,
        'wt': wt, 'bt': bt,
        'wl1': wl1, 'bl1': bl1,
        'wl2': wl2, 'bl2': bl2,
        'wa1': wa1, 'ba1': ba1,
        'wa2': wa2, 'ba2': ba2,
        'wfc': wfc, 'bfc': bfc,
        'ln_w': ln_w, 'ln_b': ln_b,
    }


def reference(x, w1, b1, wh, bh, wt, bt, wl1, bl1, wl2, bl2,
              wa1, ba1, wa2, ba2, wfc, bfc, ln_w, ln_b):
    scale = D1 ** (-0.5)
    # x: [N, D0] -> [1, N, D0]
    x = x[None]
    # _fc1: Linear + ReLU (dropout = identity in eval)
    x = jax.nn.relu(x @ w1.T + b1)
    x = (x + x.mean(axis=1, keepdims=True)) * 0.5
    e_h = x @ wh.T + bh   # [1, N, D1]
    e_t = x @ wt.T + bt   # [1, N, D1]
    attn_logit = (e_h * scale) @ jnp.swapaxes(e_t, -2, -1)  # [1, N, N]
    topk_weight, topk_index = jax.lax.top_k(attn_logit, TOPK)  # [1, N, k]
    # gather neighbor tail embeddings: Nb_h[0, j, k, :] = e_t[0, topk_index[0, j, k], :]
    Nb_h = jnp.take(e_t[0], topk_index[0], axis=0)[None]  # [1, N, k, D1]
    topk_prob = jax.nn.softmax(topk_weight, axis=2)        # [1, N, k]
    eh_r = (topk_prob[..., None] * Nb_h
            + (1.0 - topk_prob)[..., None] * e_h[:, :, None, :])  # [1, N, k, D1]
    e_h_expand = jnp.broadcast_to(e_h[:, :, None, :], Nb_h.shape)
    gate = jnp.tanh(e_h_expand + eh_r)
    # faithful to torch.einsum('ijkl,ijkm->ijk', ...): sums over l and m independently
    ka_weight = jnp.einsum('ijkl,ijkm->ijk', Nb_h, gate)   # [1, N, k]
    ka_prob = jax.nn.softmax(ka_weight, axis=2)[:, :, None, :]  # [1, N, 1, k]
    e_Nh = jnp.matmul(ka_prob, Nb_h).squeeze(2)            # [1, N, D1]
    sum_embedding = jax.nn.leaky_relu((e_h + e_Nh) @ wl1.T + bl1)
    bi_embedding = jax.nn.leaky_relu((e_h * e_Nh) @ wl2.T + bl2)
    embedding = sum_embedding + bi_embedding               # [1, N, D1]
    h = embedding[0]                                       # [N, D1] (dropout identity)
    # GlobalAttention readout (single graph, batch=None)
    att = jax.nn.leaky_relu(h @ wa1.T + ba1) @ wa2.T + ba2  # [N, 1]
    att = jax.nn.softmax(att, axis=0)
    h = jnp.sum(att * h, axis=0, keepdims=True)            # [1, D1]
    # LayerNorm
    mu = h.mean(axis=-1, keepdims=True)
    var = h.var(axis=-1, keepdims=True)
    h = (h - mu) / jnp.sqrt(var + 1e-5) * ln_w + ln_b
    h = h @ wfc.T + bfc                                    # [1, n_classes]
    Y_hat = jnp.argmax(h, axis=1)[:, None]
    Y_prob = jax.nn.softmax(h, axis=1)
    return h, Y_prob, Y_hat

if __name__ == "__main__":
    import jax
    _d = setup_inputs()
    print(jax.jit(kernel)(*tuple(_d.values())))

</pallas_src>

<mosaic_0001>
#map = affine_map<(d0, d1) -> (0, 0)>
#map1 = affine_map<(d0, d1) -> (0)>
module attributes {stable_mosaic.version = 14 : i64} {
  func.func @_sc_gather_body(%arg0: i32, %arg1: i32, %arg2: memref<4096x512xf32, #tpu.memory_space<hbm>>, %arg3: memref<24576xi32, #tpu.memory_space<hbm>>, %arg4: memref<24576x512xf32, #tpu.memory_space<hbm>>, %arg5: memref<768xi32, #tpu.memory_space<vmem>>, %arg6: memref<96x512xf32, #tpu.memory_space<vmem>>, %arg7: memref<96x512xf32, #tpu.memory_space<vmem>>, %arg8: memref<!tpu.dma_semaphore, #tpu.memory_space<semaphore_mem>>, %arg9: memref<!tpu.dma_semaphore, #tpu.memory_space<semaphore_mem>>, %arg10: memref<!tpu.dma_semaphore, #tpu.memory_space<semaphore_mem>>, %arg11: memref<!tpu.dma_semaphore, #tpu.memory_space<semaphore_mem>>) attributes {dimension_semantics = [#tpu.dimension_semantics<core_parallel>, #tpu.dimension_semantics<subcore_parallel>], iteration_bounds = array<i64: 2, 16>, scalar_prefetch = 0 : i64, scratch_operands = 7 : i64, tpu.core_type = #tpu.core_type<sc_vector_subcore>, window_params = [{transform_indices = #map}, {transform_indices = #map1}, {transform_indices = #map}]} {
    %mul3A = arith.constant 2 : i32
    %mul3A_0 = arith.muli %arg1, %mul3A : i32
    %add3A = arith.addi %mul3A_0, %arg0 : i32
    %mul3A_1 = arith.constant 768 : i32
    %mul3A_2 = arith.muli %add3A, %mul3A_1 : i32
    "tpu.region"() ({
      %run_scoped3A = tpu.sem_alloc : memref<!tpu.dma_semaphore, #tpu.memory_space<semaphore_mem>>
      %dma_start3A_161 = tpu.memref_slice %arg3[%mul3A_2] : memref<24576xi32, #tpu.memory_space<hbm>> -> memref<768xi32, #tpu.memory_space<hbm>>
      %dma_start3A_162 = tpu.memref_slice %arg3[%mul3A_2] : memref<24576xi32, #tpu.memory_space<hbm>> -> memref<768xi32, #tpu.memory_space<hbm>>
      tpu.enqueue_dma source(%dma_start3A_162 : memref<768xi32, #tpu.memory_space<hbm>>) target(%arg5 : memref<768xi32, #tpu.memory_space<vmem>>) target_semaphore(%run_scoped3A : memref<!tpu.dma_semaphore, #tpu.memory_space<semaphore_mem>>)
      %dma_wait3A_163 = tpu.memref_slice %arg3[%mul3A_2] : memref<24576xi32, #tpu.memory_space<hbm>> -> memref<768xi32, #tpu.memory_space<hbm>>
      %dma_wait3A_164 = tpu.memref_slice %arg3[%mul3A_2] : memref<24576xi32, #tpu.memory_space<hbm>> -> memref<768xi32, #tpu.memory_space<hbm>>
      tpu.wait_dma2 semaphore(%run_scoped3A : memref<!tpu.dma_semaphore, #tpu.memory_space<semaphore_mem>>) src(%dma_wait3A_164 : memref<768xi32, #tpu.memory_space<hbm>>) dst(%arg5 : memref<768xi32, #tpu.memory_space<vmem>>)
      tpu.yield
    }) : () -> ()
    %dma_start3A = arith.constant 0 : i32
    %dma_start3A_3 = tpu.memref_slice %arg5[%dma_start3A] : memref<768xi32, #tpu.memory_space<vmem>> -> memref<96xi32, #tpu.memory_space<vmem>>
    %dma_start3A_4 = arith.constant 0 : i32
    %dma_start3A_5 = arith.constant 0 : i32
    %dma_start3A_6 = tpu.memref_slice %arg2[%dma_start3A_4, %dma_start3A_5] : memref<4096x512xf32, #tpu.memory_space<hbm>> -> memref<4096x512xf32, #tpu.memory_space<hbm>>
    tpu.enqueue_indirect_dma source(%dma_start3A_6 : memref<4096x512xf32, #tpu.memory_space<hbm>>) target(%arg6 : memref<96x512xf32, #tpu.memory_space<vmem>>) offsets(%dma_start3A_3 : memref<96xi32, #tpu.memory_space<vmem>>) semaphore(%arg8 : memref<!tpu.dma_semaphore, #tpu.memory_space<semaphore_mem>>)
    %dma_start3A_7 = arith.constant 96 : i32
    %dma_start3A_8 = tpu.memref_slice %arg5[%dma_start3A_7] : memref<768xi32, #tpu.memory_space<vmem>> -> memref<96xi32, #tpu.memory_space<vmem>>
    %dma_start3A_9 = arith.constant 0 : i32
    %dma_start3A_10 = arith.constant 0 : i32
    %dma_start3A_11 = tpu.memref_slice %arg2[%dma_start3A_9, %dma_start3A_10] : memref<4096x512xf32, #tpu.memory_space<hbm>> -> memref<4096x512xf32, #tpu.memory_space<hbm>>
    tpu.enqueue_indirect_dma source(%dma_start3A_11 : memref<4096x512xf32, #tpu.memory_space<hbm>>) target(%arg7 : memref<96x512xf32, #tpu.memory_space<vmem>>) offsets(%dma_start3A_8 : memref<96xi32, #tpu.memory_space<vmem>>) semaphore(%arg9 : memref<!tpu.dma_semaphore, #tpu.memory_space<semaphore_mem>>)
    %dma_wait3A = arith.constant 0 : i32
    %dma_wait3A_12 = tpu.memref_slice %arg5[%dma_wait3A] : memref<768xi32, #tpu.memory_space<vmem>> -> memref<96xi32, #tpu.memory_space<vmem>>
    %dma_wait3A_13 = arith.constant 0 : i32
    %dma_wait3A_14 = arith.constant 0 : i32
    %dma_wait3A_15 = tpu.memref_slice %arg2[%dma_wait3A_13, %dma_wait3A_14] : memref<4096x512xf32, #tpu.memory_space<hbm>> -> memref<4096x512xf32, #tpu.memory_space<hbm>>
    tpu.wait_indirect_dma semaphore(%arg8 : memref<!tpu.dma_semaphore, #tpu.memory_space<semaphore_mem>>) src(%dma_wait3A_15 : memref<4096x512xf32, #tpu.memory_space<hbm>>) dst(%arg6 : memref<96x512xf32, #tpu.memory_space<vmem>>)
    %add3A_16 = arith.constant 0 : i32
    %add3A_17 = arith.addi %mul3A_2, %add3A_16 : i32
    %dma_start3A_18 = arith.constant 0 : i32
    %dma_start3A_19 = tpu.memref_slice %arg4[%add3A_17, %dma_start3A_18] : memref<24576x512xf32, #tpu.memory_space<hbm>> -> memref<96x512xf32, #tpu.memory_space<hbm>>
    %dma_start3A_20 = arith.constant 0 : i32
    %dma_start3A_21 = tpu.memref_slice %arg4[%add3A_17, %dma_start3A_20] : memref<24576x512xf32, #tpu.memory_space<hbm>> -> memref<96x512xf32, #tpu.memory_space<hbm>>
    tpu.enqueue_dma source(%arg6 : memref<96x512xf32, #tpu.memory_space<vmem>>) target(%dma_start3A_21 : memref<96x512xf32, #tpu.memory_space<hbm>>) target_semaphore(%arg10 : memref<!tpu.dma_semaphore, #tpu.memory_space<semaphore_mem>>)
    %dma_wait3A_22 = arith.constant 0 : i32
    %dma_wait3A_23 = tpu.memref_slice %arg4[%add3A_17, %dma_wait3A_22] : memref<24576x512xf32, #tpu.memory_space<hbm>> -> memref<96x512xf32, #tpu.memory_space<hbm>>
    %dma_wait3A_24 = arith.constant 0 : i32
    %dma_wait3A_25 = tpu.memref_slice %arg4[%add3A_17, %dma_wait3A_24] : memref<24576x512xf32, #tpu.memory_space<hbm>> -> memref<96x512xf32, #tpu.memory_space<hbm>>
    tpu.wait_dma2 semaphore(%arg10 : memref<!tpu.dma_semaphore, #tpu.memory_space<semaphore_mem>>) src(%arg6 : memref<96x512xf32, #tpu.memory_space<vmem>>) dst(%dma_wait3A_25 : memref<96x512xf32, #tpu.memory_space<hbm>>)
    %dma_start3A_26 = arith.constant 192 : i32
    %dma_start3A_27 = tpu.memref_slice %arg5[%dma_start3A_26] : memref<768xi32, #tpu.memory_space<vmem>> -> memref<96xi32, #tpu.memory_space<vmem>>
    %dma_start3A_28 = arith.constant 0 : i32
    %dma_start3A_29 = arith.constant 0 : i32
    %dma_start3A_30 = tpu.memref_slice %arg2[%dma_start3A_28, %dma_start3A_29] : memref<4096x512xf32, #tpu.memory_space<hbm>> -> memref<4096x512xf32, #tpu.memory_space<hbm>>
    tpu.enqueue_indirect_dma source(%dma_start3A_30 : memref<4096x512xf32, #tpu.memory_space<hbm>>) target(%arg6 : memref<96x512xf32, #tpu.memory_space<vmem>>) offsets(%dma_start3A_27 : memref<96xi32, #tpu.memory_space<vmem>>) semaphore(%arg8 : memref<!tpu.dma_semaphore, #tpu.memory_space<semaphore_mem>>)
    %dma_wait3A_31 = arith.constant 96 : i32
    %dma_wait3A_32 = tpu.memref_slice %arg5[%dma_wait3A_31] : memref<768xi32, #tpu.memory_space<vmem>> -> memref<96xi32, #tpu.memory_space<vmem>>
    %dma_wait3A_33 = arith.constant 0 : i32
    %dma_wait3A_34 = arith.constant 0 : i32
    %dma_wait3A_35 = tpu.memref_slice %arg2[%dma_wait3A_33, %dma_wait3A_34] : memref<4096x512xf32, #tpu.memory_space<hbm>> -> memref<4096x512xf32, #tpu.memory_space<hbm>>
    tpu.wait_indirect_dma semaphore(%arg9 : memref<!tpu.dma_semaphore, #tpu.memory_space<semaphore_mem>>) src(%dma_wait3A_35 : memref<4096x512xf32, #tpu.memory_space<hbm>>) dst(%arg7 : memref<96x512xf32, #tpu.memory_space<vmem>>)
    %add3A_36 = arith.constant 96 : i32
    %add3A_37 = arith.addi %mul3A_2, %add3A_36 : i32
    %dma_start3A_38 = arith.constant 0 : i32
    %dma_start3A_39 = tpu.memref_slice %arg4[%add3A_37, %dma_start3A_38] : memref<24576x512xf32, #tpu.memory_space<hbm>> -> memref<96x512xf32, #tpu.memory_space<hbm>>
    %dma_start3A_40 = arith.constant 0 : i32
    %dma_start3A_41 = tpu.memref_slice %arg4[%add3A_37, %dma_start3A_40] : memref<24576x512xf32, #tpu.memory_space<hbm>> -> memref<96x512xf32, #tpu.memory_space<hbm>>
    tpu.enqueue_dma source(%arg7 : memref<96x512xf32, #tpu.memory_space<vmem>>) target(%dma_start3A_41 : memref<96x512xf32, #tpu.memory_space<hbm>>) target_semaphore(%arg11 : memref<!tpu.dma_semaphore, #tpu.memory_space<semaphore_mem>>)
    %dma_wait3A_42 = arith.constant 0 : i32
    %dma_wait3A_43 = tpu.memref_slice %arg4[%add3A_37, %dma_wait3A_42] : memref<24576x512xf32, #tpu.memory_space<hbm>> -> memref<96x512xf32, #tpu.memory_space<hbm>>
    %dma_wait3A_44 = arith.constant 0 : i32
    %dma_wait3A_45 = tpu.memref_slice %arg4[%add3A_37, %dma_wait3A_44] : memref<24576x512xf32, #tpu.memory_space<hbm>> -> memref<96x512xf32, #tpu.memory_space<hbm>>
    tpu.wait_dma2 semaphore(%arg11 : memref<!tpu.dma_semaphore, #tpu.memory_space<semaphore_mem>>) src(%arg7 : memref<96x512xf32, #tpu.memory_space<vmem>>) dst(%dma_wait3A_45 : memref<96x512xf32, #tpu.memory_space<hbm>>)
    %dma_start3A_46 = arith.constant 288 : i32
    %dma_start3A_47 = tpu.memref_slice %arg5[%dma_start3A_46] : memref<768xi32, #tpu.memory_space<vmem>> -> memref<96xi32, #tpu.memory_space<vmem>>
    %dma_start3A_48 = arith.constant 0 : i32
    %dma_start3A_49 = arith.constant 0 : i32
    %dma_start3A_50 = tpu.memref_slice %arg2[%dma_start3A_48, %dma_start3A_49] : memref<4096x512xf32, #tpu.memory_space<hbm>> -> memref<4096x512xf32, #tpu.memory_space<hbm>>
    tpu.enqueue_indirect_dma source(%dma_start3A_50 : memref<4096x512xf32, #tpu.memory_space<hbm>>) target(%arg7 : memref<96x512xf32, #tpu.memory_space<vmem>>) offsets(%dma_start3A_47 : memref<96xi32, #tpu.memory_space<vmem>>) semaphore(%arg9 : memref<!tpu.dma_semaphore, #tpu.memory_space<semaphore_mem>>)
    %dma_wait3A_51 = arith.constant 192 : i32
    %dma_wait3A_52 = tpu.memref_slice %arg5[%dma_wait3A_51] : memref<768xi32, #tpu.memory_space<vmem>> -> memref<96xi32, #tpu.memory_space<vmem>>
    %dma_wait3A_53 = arith.constant 0 : i32
    %dma_wait3A_54 = arith.constant 0 : i32
    %dma_wait3A_55 = tpu.memref_slice %arg2[%dma_wait3A_53, %dma_wait3A_54] : memref<4096x512xf32, #tpu.memory_space<hbm>> -> memref<4096x512xf32, #tpu.memory_space<hbm>>
    tpu.wait_indirect_dma semaphore(%arg8 : memref<!tpu.dma_semaphore, #tpu.memory_space<semaphore_mem>>) src(%dma_wait3A_55 : memref<4096x512xf32, #tpu.memory_space<hbm>>) dst(%arg6 : memref<96x512xf32, #tpu.memory_space<vmem>>)
    %add3A_56 = arith.constant 192 : i32
    %add3A_57 = arith.addi %mul3A_2, %add3A_56 : i32
    %dma_start3A_58 = arith.constant 0 : i32
    %dma_start3A_59 = tpu.memref_slice %arg4[%add3A_57, %dma_start3A_58] : memref<24576x512xf32, #tpu.memory_space<hbm>> -> memref<96x512xf32, #tpu.memory_space<hbm>>
    %dma_start3A_60 = arith.constant 0 : i32
    %dma_start3A_61 = tpu.memref_slice %arg4[%add3A_57, %dma_start3A_60] : memref<24576x512xf32, #tpu.memory_space<hbm>> -> memref<96x512xf32, #tpu.memory_space<hbm>>
    tpu.enqueue_dma source(%arg6 : memref<96x512xf32, #tpu.memory_space<vmem>>) target(%dma_start3A_61 : memref<96x512xf32, #tpu.memory_space<hbm>>) target_semaphore(%arg10 : memref<!tpu.dma_semaphore, #tpu.memory_space<semaphore_mem>>)
    %dma_wait3A_62 = arith.constant 0 : i32
    %dma_wait3A_63 = tpu.memref_slice %arg4[%add3A_57, %dma_wait3A_62] : memref<24576x512xf32, #tpu.memory_space<hbm>> -> memref<96x512xf32, #tpu.memory_space<hbm>>
    %dma_wait3A_64 = arith.constant 0 : i32
    %dma_wait3A_65 = tpu.memref_slice %arg4[%add3A_57, %dma_wait3A_64] : memref<24576x512xf32, #tpu.memory_space<hbm>> -> memref<96x512xf32, #tpu.memory_space<hbm>>
    tpu.wait_dma2 semaphore(%arg10 : memref<!tpu.dma_semaphore, #tpu.memory_space<semaphore_mem>>) src(%arg6 : memref<96x512xf32, #tpu.memory_space<vmem>>) dst(%dma_wait3A_65 : memref<96x512xf32, #tpu.memory_space<hbm>>)
    %dma_start3A_66 = arith.constant 384 : i32
    %dma_start3A_67 = tpu.memref_slice %arg5[%dma_start3A_66] : memref<768xi32, #tpu.memory_space<vmem>> -> memref<96xi32, #tpu.memory_space<vmem>>
    %dma_start3A_68 = arith.constant 0 : i32
    %dma_start3A_69 = arith.constant 0 : i32
    %dma_start3A_70 = tpu.memref_slice %arg2[%dma_start3A_68, %dma_start3A_69] : memref<4096x512xf32, #tpu.memory_space<hbm>> -> memref<4096x512xf32, #tpu.memory_space<hbm>>
    tpu.enqueue_indirect_dma source(%dma_start3A_70 : memref<4096x512xf32, #tpu.memory_space<hbm>>) target(%arg6 : memref<96x512xf32, #tpu.memory_space<vmem>>) offsets(%dma_start3A_67 : memref<96xi32, #tpu.memory_space<vmem>>) semaphore(%arg8 : memref<!tpu.dma_semaphore, #tpu.memory_space<semaphore_mem>>)
    %dma_wait3A_71 = arith.constant 288 : i32
    %dma_wait3A_72 = tpu.memref_slice %arg5[%dma_wait3A_71] : memref<768xi32, #tpu.memory_space<vmem>> -> memref<96xi32, #tpu.memory_space<vmem>>
    %dma_wait3A_73 = arith.constant 0 : i32
    %dma_wait3A_74 = arith.constant 0 : i32
    %dma_wait3A_75 = tpu.memref_slice %arg2[%dma_wait3A_73, %dma_wait3A_74] : memref<4096x512xf32, #tpu.memory_space<hbm>> -> memref<4096x512xf32, #tpu.memory_space<hbm>>
    tpu.wait_indirect_dma semaphore(%arg9 : memref<!tpu.dma_semaphore, #tpu.memory_space<semaphore_mem>>) src(%dma_wait3A_75 : memref<4096x512xf32, #tpu.memory_space<hbm>>) dst(%arg7 : memref<96x512xf32, #tpu.memory_space<vmem>>)
    %add3A_76 = arith.constant 288 : i32
    %add3A_77 = arith.addi %mul3A_2, %add3A_76 : i32
    %dma_start3A_78 = arith.constant 0 : i32
    %dma_start3A_79 = tpu.memref_slice %arg4[%add3A_77, %dma_start3A_78] : memref<24576x512xf32, #tpu.memory_space<hbm>> -> memref<96x512xf32, #tpu.memory_space<hbm>>
    %dma_start3A_80 = arith.constant 0 : i32
    %dma_start3A_81 = tpu.memref_slice %arg4[%add3A_77, %dma_start3A_80] : memref<24576x512xf32, #tpu.memory_space<hbm>> -> memref<96x512xf32, #tpu.memory_space<hbm>>
    tpu.enqueue_dma source(%arg7 : memref<96x512xf32, #tpu.memory_space<vmem>>) target(%dma_start3A_81 : memref<96x512xf32, #tpu.memory_space<hbm>>) target_semaphore(%arg11 : memref<!tpu.dma_semaphore, #tpu.memory_space<semaphore_mem>>)
    %dma_wait3A_82 = arith.constant 0 : i32
    %dma_wait3A_83 = tpu.memref_slice %arg4[%add3A_77, %dma_wait3A_82] : memref<24576x512xf32, #tpu.memory_space<hbm>> -> memref<96x512xf32, #tpu.memory_space<hbm>>
    %dma_wait3A_84 = arith.constant 0 : i32
    %dma_wait3A_85 = tpu.memref_slice %arg4[%add3A_77, %dma_wait3A_84] : memref<24576x512xf32, #tpu.memory_space<hbm>> -> memref<96x512xf32, #tpu.memory_space<hbm>>
    tpu.wait_dma2 semaphore(%arg11 : memref<!tpu.dma_semaphore, #tpu.memory_space<semaphore_mem>>) src(%arg7 : memref<96x512xf32, #tpu.memory_space<vmem>>) dst(%dma_wait3A_85 : memref<96x512xf32, #tpu.memory_space<hbm>>)
    %dma_start3A_86 = arith.constant 480 : i32
    %dma_start3A_87 = tpu.memref_slice %arg5[%dma_start3A_86] : memref<768xi32, #tpu.memory_space<vmem>> -> memref<96xi32, #tpu.memory_space<vmem>>
    %dma_start3A_88 = arith.constant 0 : i32
    %dma_start3A_89 = arith.constant 0 : i32
    %dma_start3A_90 = tpu.memref_slice %arg2[%dma_start3A_88, %dma_start3A_89] : memref<4096x512xf32, #tpu.memory_space<hbm>> -> memref<4096x512xf32, #tpu.memory_space<hbm>>
    tpu.enqueue_indirect_dma source(%dma_start3A_90 : memref<4096x512xf32, #tpu.memory_space<hbm>>) target(%arg7 : memref<96x512xf32, #tpu.memory_space<vmem>>) offsets(%dma_start3A_87 : memref<96xi32, #tpu.memory_space<vmem>>) semaphore(%arg9 : memref<!tpu.dma_semaphore, #tpu.memory_space<semaphore_mem>>)
    %dma_wait3A_91 = arith.constant 384 : i32
    %dma_wait3A_92 = tpu.memref_slice %arg5[%dma_wait3A_91] : memref<768xi32, #tpu.memory_space<vmem>> -> memref<96xi32, #tpu.memory_space<vmem>>
    %dma_wait3A_93 = arith.constant 0 : i32
    %dma_wait3A_94 = arith.constant 0 : i32
    %dma_wait3A_95 = tpu.memref_slice %arg2[%dma_wait3A_93, %dma_wait3A_94] : memref<4096x512xf32, #tpu.memory_space<hbm>> -> memref<4096x512xf32, #tpu.memory_space<hbm>>
    tpu.wait_indirect_dma semaphore(%arg8 : memref<!tpu.dma_semaphore, #tpu.memory_space<semaphore_mem>>) src(%dma_wait3A_95 : memref<4096x512xf32, #tpu.memory_space<hbm>>) dst(%arg6 : memref<96x512xf32, #tpu.memory_space<vmem>>)
    %add3A_96 = arith.constant 384 : i32
    %add3A_97 = arith.addi %mul3A_2, %add3A_96 : i32
    %dma_start3A_98 = arith.constant 0 : i32
    %dma_start3A_99 = tpu.memref_slice %arg4[%add3A_97, %dma_start3A_98] : memref<24576x512xf32, #tpu.memory_space<hbm>> -> memref<96x512xf32, #tpu.memory_space<hbm>>
    %dma_start3A_100 = arith.constant 0 : i32
    %dma_start3A_101 = tpu.memref_slice %arg4[%add3A_97, %dma_start3A_100] : memref<24576x512xf32, #tpu.memory_space<hbm>> -> memref<96x512xf32, #tpu.memory_space<hbm>>
    tpu.enqueue_dma source(%arg6 : memref<96x512xf32, #tpu.memory_space<vmem>>) target(%dma_start3A_101 : memref<96x512xf32, #tpu.memory_space<hbm>>) target_semaphore(%arg10 : memref<!tpu.dma_semaphore, #tpu.memory_space<semaphore_mem>>)
    %dma_wait3A_102 = arith.constant 0 : i32
    %dma_wait3A_103 = tpu.memref_slice %arg4[%add3A_97, %dma_wait3A_102] : memref<24576x512xf32, #tpu.memory_space<hbm>> -> memref<96x512xf32, #tpu.memory_space<hbm>>
    %dma_wait3A_104 = arith.constant 0 : i32
    %dma_wait3A_105 = tpu.memref_slice %arg4[%add3A_97, %dma_wait3A_104] : memref<24576x512xf32, #tpu.memory_space<hbm>> -> memref<96x512xf32, #tpu.memory_space<hbm>>
    tpu.wait_dma2 semaphore(%arg10 : memref<!tpu.dma_semaphore, #tpu.memory_space<semaphore_mem>>) src(%arg6 : memref<96x512xf32, #tpu.memory_space<vmem>>) dst(%dma_wait3A_105 : memref<96x512xf32, #tpu.memory_space<hbm>>)
    %dma_start3A_106 = arith.constant 576 : i32
    %dma_start3A_107 = tpu.memref_slice %arg5[%dma_start3A_106] : memref<768xi32, #tpu.memory_space<vmem>> -> memref<96xi32, #tpu.memory_space<vmem>>
    %dma_start3A_108 = arith.constant 0 : i32
    %dma_start3A_109 = arith.constant 0 : i32
    %dma_start3A_110 = tpu.memref_slice %arg2[%dma_start3A_108, %dma_start3A_109] : memref<4096x512xf32, #tpu.memory_space<hbm>> -> memref<4096x512xf32, #tpu.memory_space<hbm>>
    tpu.enqueue_indirect_dma source(%dma_start3A_110 : memref<4096x512xf32, #tpu.memory_space<hbm>>) target(%arg6 : memref<96x512xf32, #tpu.memory_space<vmem>>) offsets(%dma_start3A_107 : memref<96xi32, #tpu.memory_space<vmem>>) semaphore(%arg8 : memref<!tpu.dma_semaphore, #tpu.memory_space<semaphore_mem>>)
    %dma_wait3A_111 = arith.constant 480 : i32
    %dma_wait3A_112 = tpu.memref_slice %arg5[%dma_wait3A_111] : memref<768xi32, #tpu.memory_space<vmem>> -> memref<96xi32, #tpu.memory_space<vmem>>
    %dma_wait3A_113 = arith.constant 0 : i32
    %dma_wait3A_114 = arith.constant 0 : i32
    %dma_wait3A_115 = tpu.memref_slice %arg2[%dma_wait3A_113, %dma_wait3A_114] : memref<4096x512xf32, #tpu.memory_space<hbm>> -> memref<4096x512xf32, #tpu.memory_space<hbm>>
    tpu.wait_indirect_dma semaphore(%arg9 : memref<!tpu.dma_semaphore, #tpu.memory_space<semaphore_mem>>) src(%dma_wait3A_115 : memref<4096x512xf32, #tpu.memory_space<hbm>>) dst(%arg7 : memref<96x512xf32, #tpu.memory_space<vmem>>)
    %add3A_116 = arith.constant 480 : i32
    %add3A_117 = arith.addi %mul3A_2, %add3A_116 : i32
    %dma_start3A_118 = arith.constant 0 : i32
    %dma_start3A_119 = tpu.memref_slice %arg4[%add3A_117, %dma_start3A_118] : memref<24576x512xf32, #tpu.memory_space<hbm>> -> memref<96x512xf32, #tpu.memory_space<hbm>>
    %dma_start3A_120 = arith.constant 0 : i32
    %dma_start3A_121 = tpu.memref_slice %arg4[%add3A_117, %dma_start3A_120] : memref<24576x512xf32, #tpu.memory_space<hbm>> -> memref<96x512xf32, #tpu.memory_space<hbm>>
    tpu.enqueue_dma source(%arg7 : memref<96x512xf32, #tpu.memory_space<vmem>>) target(%dma_start3A_121 : memref<96x512xf32, #tpu.memory_space<hbm>>) target_semaphore(%arg11 : memref<!tpu.dma_semaphore, #tpu.memory_space<semaphore_mem>>)
    %dma_wait3A_122 = arith.constant 0 : i32
    %dma_wait3A_123 = tpu.memref_slice %arg4[%add3A_117, %dma_wait3A_122] : memref<24576x512xf32, #tpu.memory_space<hbm>> -> memref<96x512xf32, #tpu.memory_space<hbm>>
    %dma_wait3A_124 = arith.constant 0 : i32
    %dma_wait3A_125 = tpu.memref_slice %arg4[%add3A_117, %dma_wait3A_124] : memref<24576x512xf32, #tpu.memory_space<hbm>> -> memref<96x512xf32, #tpu.memory_space<hbm>>
    tpu.wait_dma2 semaphore(%arg11 : memref<!tpu.dma_semaphore, #tpu.memory_space<semaphore_mem>>) src(%arg7 : memref<96x512xf32, #tpu.memory_space<vmem>>) dst(%dma_wait3A_125 : memref<96x512xf32, #tpu.memory_space<hbm>>)
    %dma_start3A_126 = arith.constant 672 : i32
    %dma_start3A_127 = tpu.memref_slice %arg5[%dma_start3A_126] : memref<768xi32, #tpu.memory_space<vmem>> -> memref<96xi32, #tpu.memory_space<vmem>>
    %dma_start3A_128 = arith.constant 0 : i32
    %dma_start3A_129 = arith.constant 0 : i32
    %dma_start3A_130 = tpu.memref_slice %arg2[%dma_start3A_128, %dma_start3A_129] : memref<4096x512xf32, #tpu.memory_space<hbm>> -> memref<4096x512xf32, #tpu.memory_space<hbm>>
    tpu.enqueue_indirect_dma source(%dma_start3A_130 : memref<4096x512xf32, #tpu.memory_space<hbm>>) target(%arg7 : memref<96x512xf32, #tpu.memory_space<vmem>>) offsets(%dma_start3A_127 : memref<96xi32, #tpu.memory_space<vmem>>) semaphore(%arg9 : memref<!tpu.dma_semaphore, #tpu.memory_space<semaphore_mem>>)
    %dma_wait3A_131 = arith.constant 576 : i32
    %dma_wait3A_132 = tpu.memref_slice %arg5[%dma_wait3A_131] : memref<768xi32, #tpu.memory_space<vmem>> -> memref<96xi32, #tpu.memory_space<vmem>>
    %dma_wait3A_133 = arith.constant 0 : i32
    %dma_wait3A_134 = arith.constant 0 : i32
    %dma_wait3A_135 = tpu.memref_slice %arg2[%dma_wait3A_133, %dma_wait3A_134] : memref<4096x512xf32, #tpu.memory_space<hbm>> -> memref<4096x512xf32, #tpu.memory_space<hbm>>
    tpu.wait_indirect_dma semaphore(%arg8 : memref<!tpu.dma_semaphore, #tpu.memory_space<semaphore_mem>>) src(%dma_wait3A_135 : memref<4096x512xf32, #tpu.memory_space<hbm>>) dst(%arg6 : memref<96x512xf32, #tpu.memory_space<vmem>>)
    %add3A_136 = arith.constant 576 : i32
    %add3A_137 = arith.addi %mul3A_2, %add3A_136 : i32
    %dma_start3A_138 = arith.constant 0 : i32
    %dma_start3A_139 = tpu.memref_slice %arg4[%add3A_137, %dma_start3A_138] : memref<24576x512xf32, #tpu.memory_space<hbm>> -> memref<96x512xf32, #tpu.memory_space<hbm>>
    %dma_start3A_140 = arith.constant 0 : i32
    %dma_start3A_141 = tpu.memref_slice %arg4[%add3A_137, %dma_start3A_140] : memref<24576x512xf32, #tpu.memory_space<hbm>> -> memref<96x512xf32, #tpu.memory_space<hbm>>
    tpu.enqueue_dma source(%arg6 : memref<96x512xf32, #tpu.memory_space<vmem>>) target(%dma_start3A_141 : memref<96x512xf32, #tpu.memory_space<hbm>>) target_semaphore(%arg10 : memref<!tpu.dma_semaphore, #tpu.memory_space<semaphore_mem>>)
    %dma_wait3A_142 = arith.constant 672 : i32
    %dma_wait3A_143 = tpu.memref_slice %arg5[%dma_wait3A_142] : memref<768xi32, #tpu.memory_space<vmem>> -> memref<96xi32, #tpu.memory_space<vmem>>
    %dma_wait3A_144 = arith.constant 0 : i32
    %dma_wait3A_145 = arith.constant 0 : i32
    %dma_wait3A_146 = tpu.memref_slice %arg2[%dma_wait3A_144, %dma_wait3A_145] : memref<4096x512xf32, #tpu.memory_space<hbm>> -> memref<4096x512xf32, #tpu.memory_space<hbm>>
    tpu.wait_indirect_dma semaphore(%arg9 : memref<!tpu.dma_semaphore, #tpu.memory_space<semaphore_mem>>) src(%dma_wait3A_146 : memref<4096x512xf32, #tpu.memory_space<hbm>>) dst(%arg7 : memref<96x512xf32, #tpu.memory_space<vmem>>)
    %add3A_147 = arith.constant 672 : i32
    %add3A_148 = arith.addi %mul3A_2, %add3A_147 : i32
    %dma_start3A_149 = arith.constant 0 : i32
    %dma_start3A_150 = tpu.memref_slice %arg4[%add3A_148, %dma_start3A_149] : memref<24576x512xf32, #tpu.memory_space<hbm>> -> memref<96x512xf32, #tpu.memory_space<hbm>>
    %dma_start3A_151 = arith.constant 0 : i32
    %dma_start3A_152 = tpu.memref_slice %arg4[%add3A_148, %dma_start3A_151] : memref<24576x512xf32, #tpu.memory_space<hbm>> -> memref<96x512xf32, #tpu.memory_space<hbm>>
    tpu.enqueue_dma source(%arg7 : memref<96x512xf32, #tpu.memory_space<vmem>>) target(%dma_start3A_152 : memref<96x512xf32, #tpu.memory_space<hbm>>) target_semaphore(%arg11 : memref<!tpu.dma_semaphore, #tpu.memory_space<semaphore_mem>>)
    %dma_wait3A_153 = arith.constant 0 : i32
    %dma_wait3A_154 = tpu.memref_slice %arg4[%add3A_137, %dma_wait3A_153] : memref<24576x512xf32, #tpu.memory_space<hbm>> -> memref<96x512xf32, #tpu.memory_space<hbm>>
    %dma_wait3A_155 = arith.constant 0 : i32
    %dma_wait3A_156 = tpu.memref_slice %arg4[%add3A_137, %dma_wait3A_155] : memref<24576x512xf32, #tpu.memory_space<hbm>> -> memref<96x512xf32, #tpu.memory_space<hbm>>
    tpu.wait_dma2 semaphore(%arg10 : memref<!tpu.dma_semaphore, #tpu.memory_space<semaphore_mem>>) src(%arg6 : memref<96x512xf32, #tpu.memory_space<vmem>>) dst(%dma_wait3A_156 : memref<96x512xf32, #tpu.memory_space<hbm>>)
    %dma_wait3A_157 = arith.constant 0 : i32
    %dma_wait3A_158 = tpu.memref_slice %arg4[%add3A_148, %dma_wait3A_157] : memref<24576x512xf32, #tpu.memory_space<hbm>> -> memref<96x512xf32, #tpu.memory_space<hbm>>
    %dma_wait3A_159 = arith.constant 0 : i32
    %dma_wait3A_160 = tpu.memref_slice %arg4[%add3A_148, %dma_wait3A_159] : memref<24576x512xf32, #tpu.memory_space<hbm>> -> memref<96x512xf32, #tpu.memory_space<hbm>>
    tpu.wait_dma2 semaphore(%arg11 : memref<!tpu.dma_semaphore, #tpu.memory_space<semaphore_mem>>) src(%arg7 : memref<96x512xf32, #tpu.memory_space<vmem>>) dst(%dma_wait3A_160 : memref<96x512xf32, #tpu.memory_space<hbm>>)
    return
  }
}

module attributes {stable_mosaic.version = 14 : i64} {
  func.func @_fc1_body(%arg0: i32, %arg1: memref<256x1024xf32, #tpu.memory_space<vmem>>, %arg2: memref<1024x512xf32, #tpu.memory_space<vmem>>, %arg3: memref<1x512xf32, #tpu.memory_space<vmem>>, %arg4: memref<256x512xf32, #tpu.memory_space<vmem>>, %arg5: memref<1x512xf32, #tpu.memory_space<vmem>>) attributes {dimension_semantics = [#tpu.dimension_semantics<arbitrary>], iteration_bounds = array<i64: 16>, scalar_prefetch = 0 : i64, scratch_operands = 0 : i64, tpu.core_type = #tpu.core_type<tc>, window_params = [{transform_indices = @transform_0, window_bounds = array<i64: 256, 1024>}, {pipeline_mode = #tpu.pipeline_mode<synchronous>, transform_indices = @transform_1, window_bounds = array<i64: 1024, 512>}, {pipeline_mode = #tpu.pipeline_mode<synchronous>, transform_indices = @transform_2, window_bounds = array<i64: 1, 512>}, {transform_indices = @transform_3, window_bounds = array<i64: 256, 512>}, {pipeline_mode = #tpu.pipeline_mode<synchronous>, transform_indices = @transform_4, window_bounds = array<i64: 1, 512>}]} {
    %get3A = arith.constant 0 : index
    %get3A_0 = arith.constant 0 : index
    %get3A_1 = vector.load %arg1[%get3A, %get3A_0] : memref<256x1024xf32, #tpu.memory_space<vmem>>, vector<256x1024xf32>
    %get3A_2 = arith.constant 0 : index
    %get3A_3 = arith.constant 0 : index
    %get3A_4 = vector.load %arg2[%get3A_2, %get3A_3] : memref<1024x512xf32, #tpu.memory_space<vmem>>, vector<1024x512xf32>
    %dot_general3A = arith.constant dense<0.000000e+00> : vector<256x512xf32>
    %dot_general3A_5 = tpu.matmul %get3A_1, %get3A_4, %dot_general3A {dimension_numbers = #tpu.dot_dimension_numbers<[1], [0], [0], [1], [0, 0, 1, 1], [], []>, transpose_lhs_hint = false} : vector<256x1024xf32>, vector<1024x512xf32>, vector<256x512xf32> -> vector<256x512xf32>
    %get3A_6 = arith.constant 0 : index
    %get3A_7 = arith.constant 0 : index
    %get3A_8 = vector.load %arg3[%get3A_6, %get3A_7] : memref<1x512xf32, #tpu.memory_space<vmem>>, vector<1x512xf32>
    %add3A = vector.broadcast %get3A_8 : vector<1x512xf32> to vector<256x512xf32>
    %add3A_9 = arith.addf %dot_general3A_5, %add3A : vector<256x512xf32>
    %max3A = arith.constant 0.000000e+00 : f32
    %max3A_10 = vector.broadcast %max3A : f32 to vector<256x512xf32>
    %max3A_11 = arith.maximumf %add3A_9, %max3A_10 : vector<256x512xf32>
    %swap3A = arith.constant 0 : index
    %swap3A_12 = arith.constant 0 : index
    %swap3A_13 = vector.load %arg4[%swap3A, %swap3A_12] : memref<256x512xf32, #tpu.memory_space<vmem>>, vector<256x512xf32>
    tpu.vector_store %arg4[%swap3A, %swap3A_12], %max3A_11 {strides = array<i32>} : memref<256x512xf32, #tpu.memory_space<vmem>>, vector<256x512xf32>,
    %eq3A = arith.constant 0 : i32
    %eq3A_14 = arith.cmpi eq, %arg0, %eq3A : i32
    %convert_element_type3A = arith.extui %eq3A_14 : i1 to i32
    %cond3A = arith.constant 0 : i32
    %cond3A_15 = arith.cmpi ne, %convert_element_type3A, %cond3A : i32
    scf.if %cond3A_15 {
      %broadcast_in_dim3A_24 = arith.constant 0.000000e+00 : f32
      %broadcast_in_dim3A_25 = vector.broadcast %broadcast_in_dim3A_24 : f32 to vector<1x512xf32>
      %swap3A_26 = arith.constant 0 : index
      %swap3A_27 = arith.constant 0 : index
      %swap3A_28 = vector.load %arg5[%swap3A_26, %swap3A_27] : memref<1x512xf32, #tpu.memory_space<vmem>>, vector<1x512xf32>
      tpu.vector_store %arg5[%swap3A_26, %swap3A_27], %broadcast_in_dim3A_25 {strides = array<i32>} : memref<1x512xf32, #tpu.memory_space<vmem>>, vector<1x512xf32>,
    } else {
    }
    %get3A_16 = arith.constant 0 : index
    %get3A_17 = arith.constant 0 : index
    %get3A_18 = vector.load %arg5[%get3A_16, %get3A_17] : memref<1x512xf32, #tpu.memory_space<vmem>>, vector<1x512xf32>
    %reduce_sum3A = arith.constant dense<0.000000e+00> : vector<512xf32>
    %reduce_sum3A_19 = vector.multi_reduction <add>, %max3A_11, %reduce_sum3A [0] : vector<256x512xf32> to vector<512xf32>
    %broadcast_in_dim3A = vector.shape_cast %reduce_sum3A_19 : vector<512xf32> to vector<1x512xf32>
    %add3A_20 = arith.addf %get3A_18, %broadcast_in_dim3A : vector<1x512xf32>
    %swap3A_21 = arith.constant 0 : index
    %swap3A_22 = arith.constant 0 : index
    %swap3A_23 = vector.load %arg5[%swap3A_21, %swap3A_22] : memref<1x512xf32, #tpu.memory_space<vmem>>, vector<1x512xf32>
    tpu.vector_store %arg5[%swap3A_21, %swap3A_22], %add3A_20 {strides = array<i32>} : memref<1x512xf32, #tpu.memory_space<vmem>>, vector<1x512xf32>,
    return
  }
  func.func @transform_0(%arg0: i32) -> (i32, i32) {
    %c0_i32 = arith.constant 0 : i32
    %c0_i32_0 = arith.constant 0 : i32
    return %arg0, %c0_i32 : i32, i32
  }
  func.func @transform_1(%arg0: i32) -> (i32, i32) {
    %c0_i32 = arith.constant 0 : i32
    %c0_i32_0 = arith.constant 0 : i32
    %c0_i32_1 = arith.constant 0 : i32
    return %c0_i32, %c0_i32_0 : i32, i32
  }
  func.func @transform_2(%arg0: i32) -> (i32, i32) {
    %c0_i32 = arith.constant 0 : i32
    %c0_i32_0 = arith.constant 0 : i32
    %c0_i32_1 = arith.constant 0 : i32
    return %c0_i32, %c0_i32_0 : i32, i32
  }
  func.func @transform_3(%arg0: i32) -> (i32, i32) {
    %c0_i32 = arith.constant 0 : i32
    %c0_i32_0 = arith.constant 0 : i32
    return %arg0, %c0_i32 : i32, i32
  }
  func.func @transform_4(%arg0: i32) -> (i32, i32) {
    %c0_i32 = arith.constant 0 : i32
    %c0_i32_0 = arith.constant 0 : i32
    %c0_i32_1 = arith.constant 0 : i32
    return %c0_i32, %c0_i32_0 : i32, i32
  }
}

module attributes {stable_mosaic.version = 14 : i64} {
  func.func @_heads_body(%arg0: i32, %arg1: memref<256x512xf32, #tpu.memory_space<vmem>>, %arg2: memref<1x512xf32, #tpu.memory_space<vmem>>, %arg3: memref<512x512xf32, #tpu.memory_space<vmem>>, %arg4: memref<1x512xf32, #tpu.memory_space<vmem>>, %arg5: memref<512x512xf32, #tpu.memory_space<vmem>>, %arg6: memref<1x512xf32, #tpu.memory_space<vmem>>, %arg7: memref<256x512xf32, #tpu.memory_space<vmem>>, %arg8: memref<256x512xf32, #tpu.memory_space<vmem>>) attributes {dimension_semantics = [#tpu.dimension_semantics<arbitrary>], iteration_bounds = array<i64: 16>, scalar_prefetch = 0 : i64, scratch_operands = 0 : i64, tpu.core_type = #tpu.core_type<tc>, window_params = [{transform_indices = @transform_0, window_bounds = array<i64: 256, 512>}, {pipeline_mode = #tpu.pipeline_mode<synchronous>, transform_indices = @transform_1, window_bounds = array<i64: 1, 512>}, {pipeline_mode = #tpu.pipeline_mode<synchronous>, transform_indices = @transform_2, window_bounds = array<i64: 512, 512>}, {pipeline_mode = #tpu.pipeline_mode<synchronous>, transform_indices = @transform_3, window_bounds = array<i64: 1, 512>}, {pipeline_mode = #tpu.pipeline_mode<synchronous>, transform_indices = @transform_4, window_bounds = array<i64: 512, 512>}, {pipeline_mode = #tpu.pipeline_mode<synchronous>, transform_indices = @transform_5, window_bounds = array<i64: 1, 512>}, {transform_indices = @transform_6, window_bounds = array<i64: 256, 512>}, {transform_indices = @transform_7, window_bounds = array<i64: 256, 512>}]} {
    %get3A = arith.constant 0 : index
    %get3A_0 = arith.constant 0 : index
    %get3A_1 = vector.load %arg2[%get3A, %get3A_0] : memref<1x512xf32, #tpu.memory_space<vmem>>, vector<1x512xf32>
    %mul3A = arith.constant 2.44140625E-4 : f32
    %mul3A_2 = vector.broadcast %mul3A : f32 to vector<1x512xf32>
    %mul3A_3 = arith.mulf %get3A_1, %mul3A_2 : vector<1x512xf32>
    %get3A_4 = arith.constant 0 : index
    %get3A_5 = arith.constant 0 : index
    %get3A_6 = vector.load %arg1[%get3A_4, %get3A_5] : memref<256x512xf32, #tpu.memory_space<vmem>>, vector<256x512xf32>
    %add3A = vector.broadcast %mul3A_3 : vector<1x512xf32> to vector<256x512xf32>
    %add3A_7 = arith.addf %get3A_6, %add3A : vector<256x512xf32>
    %mul3A_8 = arith.constant 5.000000e-01 : f32
    %mul3A_9 = vector.broadcast %mul3A_8 : f32 to vector<256x512xf32>
    %mul3A_10 = arith.mulf %add3A_7, %mul3A_9 : vector<256x512xf32>
    %get3A_11 = arith.constant 0 : index
    %get3A_12 = arith.constant 0 : index
    %get3A_13 = vector.load %arg3[%get3A_11, %get3A_12] : memref<512x512xf32, #tpu.memory_space<vmem>>, vector<512x512xf32>
    %dot_general3A = arith.constant dense<0.000000e+00> : vector<256x512xf32>
    %dot_general3A_14 = tpu.matmul %mul3A_10, %get3A_13, %dot_general3A {dimension_numbers = #tpu.dot_dimension_numbers<[1], [0], [0], [1], [0, 0, 1, 1], [], []>, transpose_lhs_hint = false} : vector<256x512xf32>, vector<512x512xf32>, vector<256x512xf32> -> vector<256x512xf32>
    %get3A_15 = arith.constant 0 : index
    %get3A_16 = arith.constant 0 : index
    %get3A_17 = vector.load %arg4[%get3A_15, %get3A_16] : memref<1x512xf32, #tpu.memory_space<vmem>>, vector<1x512xf32>
    %add3A_18 = vector.broadcast %get3A_17 : vector<1x512xf32> to vector<256x512xf32>
    %add3A_19 = arith.addf %dot_general3A_14, %add3A_18 : vector<256x512xf32>
    %swap3A = arith.constant 0 : index
    %swap3A_20 = arith.constant 0 : index
    %swap3A_21 = vector.load %arg7[%swap3A, %swap3A_20] : memref<256x512xf32, #tpu.memory_space<vmem>>, vector<256x512xf32>
    tpu.vector_store %arg7[%swap3A, %swap3A_20], %add3A_19 {strides = array<i32>} : memref<256x512xf32, #tpu.memory_space<vmem>>, vector<256x512xf32>,
    %get3A_22 = arith.constant 0 : index
    %get3A_23 = arith.constant 0 : index
    %get3A_24 = vector.load %arg5[%get3A_22, %get3A_23] : memref<512x512xf32, #tpu.memory_space<vmem>>, vector<512x512xf32>
    %dot_general3A_25 = arith.constant dense<0.000000e+00> : vector<256x512xf32>
    %dot_general3A_26 = tpu.matmul %mul3A_10, %get3A_24, %dot_general3A_25 {dimension_numbers = #tpu.dot_dimension_numbers<[1], [0], [0], [1], [0, 0, 1, 1], [], []>, transpose_lhs_hint = false} : vector<256x512xf32>, vector<512x512xf32>, vector<256x512xf32> -> vector<256x512xf32>
    %get3A_27 = arith.constant 0 : index
    %get3A_28 = arith.constant 0 : index
    %get3A_29 = vector.load %arg6[%get3A_27, %get3A_28] : memref<1x512xf32, #tpu.memory_space<vmem>>, vector<1x512xf32>
    %add3A_30 = vector.broadcast %get3A_29 : vector<1x512xf32> to vector<256x512xf32>
    %add3A_31 = arith.addf %dot_general3A_26, %add3A_30 : vector<256x512xf32>
    %swap3A_32 = arith.constant 0 : index
    %swap3A_33 = arith.constant 0 : index
    %swap3A_34 = vector.load %arg8[%swap3A_32, %swap3A_33] : memref<256x512xf32, #tpu.memory_space<vmem>>, vector<256x512xf32>
    tpu.vector_store %arg8[%swap3A_32, %swap3A_33], %add3A_31 {strides = array<i32>} : memref<256x512xf32, #tpu.memory_space<vmem>>, vector<256x512xf32>,
    return
  }
  func.func @transform_0(%arg0: i32) -> (i32, i32) {
    %c0_i32 = arith.constant 0 : i32
    %c0_i32_0 = arith.constant 0 : i32
    return %arg0, %c0_i32 : i32, i32
  }
  func.func @transform_1(%arg0: i32) -> (i32, i32) {
    %c0_i32 = arith.constant 0 : i32
    %c0_i32_0 = arith.constant 0 : i32
    %c0_i32_1 = arith.constant 0 : i32
    return %c0_i32, %c0_i32_0 : i32, i32
  }
  func.func @transform_2(%arg0: i32) -> (i32, i32) {
    %c0_i32 = arith.constant 0 : i32
    %c0_i32_0 = arith.constant 0 : i32
    %c0_i32_1 = arith.constant 0 : i32
    return %c0_i32, %c0_i32_0 : i32, i32
  }
  func.func @transform_3(%arg0: i32) -> (i32, i32) {
    %c0_i32 = arith.constant 0 : i32
    %c0_i32_0 = arith.constant 0 : i32
    %c0_i32_1 = arith.constant 0 : i32
    return %c0_i32, %c0_i32_0 : i32, i32
  }
  func.func @transform_4(%arg0: i32) -> (i32, i32) {
    %c0_i32 = arith.constant 0 : i32
    %c0_i32_0 = arith.constant 0 : i32
    %c0_i32_1 = arith.constant 0 : i32
    return %c0_i32, %c0_i32_0 : i32, i32
  }
  func.func @transform_5(%arg0: i32) -> (i32, i32) {
    %c0_i32 = arith.constant 0 : i32
    %c0_i32_0 = arith.constant 0 : i32
    %c0_i32_1 = arith.constant 0 : i32
    return %c0_i32, %c0_i32_0 : i32, i32
  }
  func.func @transform_6(%arg0: i32) -> (i32, i32) {
    %c0_i32 = arith.constant 0 : i32
    %c0_i32_0 = arith.constant 0 : i32
    return %arg0, %c0_i32 : i32, i32
  }
  func.func @transform_7(%arg0: i32) -> (i32, i32) {
    %c0_i32 = arith.constant 0 : i32
    %c0_i32_0 = arith.constant 0 : i32
    return %arg0, %c0_i32 : i32, i32
  }
}

module attributes {stable_mosaic.version = 14 : i64} {
  func.func @_topk_body(%arg0: i32, %arg1: memref<256x512xf32, #tpu.memory_space<vmem>>, %arg2: memref<4096x512xf32, #tpu.memory_space<vmem>>, %arg3: memref<256x6xi32, #tpu.memory_space<vmem>>) attributes {dimension_semantics = [#tpu.dimension_semantics<arbitrary>], iteration_bounds = array<i64: 16>, scalar_prefetch = 0 : i64, scratch_operands = 0 : i64, tpu.core_type = #tpu.core_type<tc>, window_params = [{transform_indices = @transform_0, window_bounds = array<i64: 256, 512>}, {pipeline_mode = #tpu.pipeline_mode<synchronous>, transform_indices = @transform_1, window_bounds = array<i64: 4096, 512>}, {transform_indices = @transform_2, window_bounds = array<i64: 256, 6>}]} {
    %get3A = arith.constant 0 : index
    %get3A_0 = arith.constant 0 : index
    %get3A_1 = vector.load %arg1[%get3A, %get3A_0] : memref<256x512xf32, #tpu.memory_space<vmem>>, vector<256x512xf32>
    %mul3A = arith.constant 0.0441941731 : f32
    %mul3A_2 = vector.broadcast %mul3A : f32 to vector<256x512xf32>
    %mul3A_3 = arith.mulf %get3A_1, %mul3A_2 : vector<256x512xf32>
    %get3A_4 = arith.constant 0 : index
    %get3A_5 = arith.constant 0 : index
    %get3A_6 = vector.load %arg2[%get3A_4, %get3A_5] : memref<4096x512xf32, #tpu.memory_space<vmem>>, vector<4096x512xf32>
    %dot_general3A = arith.constant dense<0.000000e+00> : vector<256x4096xf32>
    %dot_general3A_7 = tpu.matmul %mul3A_3, %get3A_6, %dot_general3A {dimension_numbers = #tpu.dot_dimension_numbers<[1], [1], [0], [0], [0, 0, 1, 0], [], []>, transpose_lhs_hint = false} : vector<256x512xf32>, vector<4096x512xf32>, vector<256x4096xf32> -> vector<256x4096xf32>
    %iota3A = tpu.iota {dimensions = array<i32: 1>} : vector<256x4096xi32>
    %reduce_max3A = arith.constant dense<0xFF800000> : vector<256xf32>
    %reduce_max3A_8 = vector.multi_reduction <maximumf>, %dot_general3A_7, %reduce_max3A [1] : vector<256x4096xf32> to vector<256xf32>
    %broadcast_in_dim3A = vector.shape_cast %reduce_max3A_8 : vector<256xf32> to vector<256x1xf32>
    %eq3A = vector.broadcast %broadcast_in_dim3A : vector<256x1xf32> to vector<256x4096xf32>
    %eq3A_9 = arith.cmpf oeq, %dot_general3A_7, %eq3A : vector<256x4096xf32>
    %jit3A = arith.constant 4096 : i32
    %broadcast_in_dim3A_10 = vector.broadcast %jit3A : i32 to vector<256x4096xi32>
    %select_n3A = arith.select %eq3A_9, %iota3A, %broadcast_in_dim3A_10 : vector<256x4096xi1>, vector<256x4096xi32>
    %reduce_min3A = arith.constant dense<2147483647> : vector<256xi32>
    %reduce_min3A_11 = vector.multi_reduction <minsi>, %select_n3A, %reduce_min3A [1] : vector<256x4096xi32> to vector<256xi32>
    %broadcast_in_dim3A_12 = vector.shape_cast %reduce_min3A_11 : vector<256xi32> to vector<256x1xi32>
    %eq3A_13 = vector.broadcast %broadcast_in_dim3A_12 : vector<256x1xi32> to vector<256x4096xi32>
    %eq3A_14 = arith.cmpi eq, %iota3A, %eq3A_13 : vector<256x4096xi32>
    %jit3A_15 = arith.constant 0xFF800000 : f32
    %broadcast_in_dim3A_16 = vector.broadcast %jit3A_15 : f32 to vector<256x4096xf32>
    %select_n3A_17 = arith.select %eq3A_14, %broadcast_in_dim3A_16, %dot_general3A_7 : vector<256x4096xi1>, vector<256x4096xf32>
    %reduce_max3A_18 = arith.constant dense<0xFF800000> : vector<256xf32>
    %reduce_max3A_19 = vector.multi_reduction <maximumf>, %select_n3A_17, %reduce_max3A_18 [1] : vector<256x4096xf32> to vector<256xf32>
    %broadcast_in_dim3A_20 = vector.shape_cast %reduce_max3A_19 : vector<256xf32> to vector<256x1xf32>
    %eq3A_21 = vector.broadcast %broadcast_in_dim3A_20 : vector<256x1xf32> to vector<256x4096xf32>
    %eq3A_22 = arith.cmpf oeq, %select_n3A_17, %eq3A_21 : vector<256x4096xf32>
    %jit3A_23 = arith.constant 4096 : i32
    %broadcast_in_dim3A_24 = vector.broadcast %jit3A_23 : i32 to vector<256x4096xi32>
    %select_n3A_25 = arith.select %eq3A_22, %iota3A, %broadcast_in_dim3A_24 : vector<256x4096xi1>, vector<256x4096xi32>
    %reduce_min3A_26 = arith.constant dense<2147483647> : vector<256xi32>
    %reduce_min3A_27 = vector.multi_reduction <minsi>, %select_n3A_25, %reduce_min3A_26 [1] : vector<256x4096xi32> to vector<256xi32>
    %broadcast_in_dim3A_28 = vector.shape_cast %reduce_min3A_27 : vector<256xi32> to vector<256x1xi32>
    %eq3A_29 = vector.broadcast %broadcast_in_dim3A_28 : vector<256x1xi32> to vector<256x4096xi32>
    %eq3A_30 = arith.cmpi eq, %iota3A, %eq3A_29 : vector<256x4096xi32>
    %jit3A_31 = arith.constant 0xFF800000 : f32
    %broadcast_in_dim3A_32 = vector.broadcast %jit3A_31 : f32 to vector<256x4096xf32>
    %select_n3A_33 = arith.select %eq3A_30, %broadcast_in_dim3A_32, %select_n3A_17 : vector<256x4096xi1>, vector<256x4096xf32>
    %reduce_max3A_34 = arith.constant dense<0xFF800000> : vector<256xf32>
    %reduce_max3A_35 = vector.multi_reduction <maximumf>, %select_n3A_33, %reduce_max3A_34 [1] : vector<256x4096xf32> to vector<256xf32>
    %broadcast_in_dim3A_36 = vector.shape_cast %reduce_max3A_35 : vector<256xf32> to vector<256x1xf32>
    %eq3A_37 = vector.broadcast %broadcast_in_dim3A_36 : vector<256x1xf32> to vector<256x4096xf32>
    %eq3A_38 = arith.cmpf oeq, %select_n3A_33, %eq3A_37 : vector<256x4096xf32>
    %jit3A_39 = arith.constant 4096 : i32
    %broadcast_in_dim3A_40 = vector.broadcast %jit3A_39 : i32 to vector<256x4096xi32>
    %select_n3A_41 = arith.select %eq3A_38, %iota3A, %broadcast_in_dim3A_40 : vector<256x4096xi1>, vector<256x4096xi32>
    %reduce_min3A_42 = arith.constant dense<2147483647> : vector<256xi32>
    %reduce_min3A_43 = vector.multi_reduction <minsi>, %select_n3A_41, %reduce_min3A_42 [1] : vector<256x4096xi32> to vector<256xi32>
    %broadcast_in_dim3A_44 = vector.shape_cast %reduce_min3A_43 : vector<256xi32> to vector<256x1xi32>
    %eq3A_45 = vector.broadcast %broadcast_in_dim3A_44 : vector<256x1xi32> to vector<256x4096xi32>
    %eq3A_46 = arith.cmpi eq, %iota3A, %eq3A_45 : vector<256x4096xi32>
    %jit3A_47 = arith.constant 0xFF800000 : f32
    %broadcast_in_dim3A_48 = vector.broadcast %jit3A_47 : f32 to vector<256x4096xf32>
    %select_n3A_49 = arith.select %eq3A_46, %broadcast_in_dim3A_48, %select_n3A_33 : vector<256x4096xi1>, vector<256x4096xf32>
    %reduce_max3A_50 = arith.constant dense<0xFF800000> : vector<256xf32>
    %reduce_max3A_51 = vector.multi_reduction <maximumf>, %select_n3A_49, %reduce_max3A_50 [1] : vector<256x4096xf32> to vector<256xf32>
    %broadcast_in_dim3A_52 = vector.shape_cast %reduce_max3A_51 : vector<256xf32> to vector<256x1xf32>
    %eq3A_53 = vector.broadcast %broadcast_in_dim3A_52 : vector<256x1xf32> to vector<256x4096xf32>
    %eq3A_54 = arith.cmpf oeq, %select_n3A_49, %eq3A_53 : vector<256x4096xf32>
    %jit3A_55 = arith.constant 4096 : i32
    %broadcast_in_dim3A_56 = vector.broadcast %jit3A_55 : i32 to vector<256x4096xi32>
    %select_n3A_57 = arith.select %eq3A_54, %iota3A, %broadcast_in_dim3A_56 : vector<256x4096xi1>, vector<256x4096xi32>
    %reduce_min3A_58 = arith.constant dense<2147483647> : vector<256xi32>
    %reduce_min3A_59 = vector.multi_reduction <minsi>, %select_n3A_57, %reduce_min3A_58 [1] : vector<256x4096xi32> to vector<256xi32>
    %broadcast_in_dim3A_60 = vector.shape_cast %reduce_min3A_59 : vector<256xi32> to vector<256x1xi32>
    %eq3A_61 = vector.broadcast %broadcast_in_dim3A_60 : vector<256x1xi32> to vector<256x4096xi32>
    %eq3A_62 = arith.cmpi eq, %iota3A, %eq3A_61 : vector<256x4096xi32>
    %jit3A_63 = arith.constant 0xFF800000 : f32
    %broadcast_in_dim3A_64 = vector.broadcast %jit3A_63 : f32 to vector<256x4096xf32>
    %select_n3A_65 = arith.select %eq3A_62, %broadcast_in_dim3A_64, %select_n3A_49 : vector<256x4096xi1>, vector<256x4096xf32>
    %reduce_max3A_66 = arith.constant dense<0xFF800000> : vector<256xf32>
    %reduce_max3A_67 = vector.multi_reduction <maximumf>, %select_n3A_65, %reduce_max3A_66 [1] : vector<256x4096xf32> to vector<256xf32>
    %broadcast_in_dim3A_68 = vector.shape_cast %reduce_max3A_67 : vector<256xf32> to vector<256x1xf32>
    %eq3A_69 = vector.broadcast %broadcast_in_dim3A_68 : vector<256x1xf32> to vector<256x4096xf32>
    %eq3A_70 = arith.cmpf oeq, %select_n3A_65, %eq3A_69 : vector<256x4096xf32>
    %jit3A_71 = arith.constant 4096 : i32
    %broadcast_in_dim3A_72 = vector.broadcast %jit3A_71 : i32 to vector<256x4096xi32>
    %select_n3A_73 = arith.select %eq3A_70, %iota3A, %broadcast_in_dim3A_72 : vector<256x4096xi1>, vector<256x4096xi32>
    %reduce_min3A_74 = arith.constant dense<2147483647> : vector<256xi32>
    %reduce_min3A_75 = vector.multi_reduction <minsi>, %select_n3A_73, %reduce_min3A_74 [1] : vector<256x4096xi32> to vector<256xi32>
    %broadcast_in_dim3A_76 = vector.shape_cast %reduce_min3A_75 : vector<256xi32> to vector<256x1xi32>
    %eq3A_77 = vector.broadcast %broadcast_in_dim3A_76 : vector<256x1xi32> to vector<256x4096xi32>
    %eq3A_78 = arith.cmpi eq, %iota3A, %eq3A_77 : vector<256x4096xi32>
    %jit3A_79 = arith.constant 0xFF800000 : f32
    %broadcast_in_dim3A_80 = vector.broadcast %jit3A_79 : f32 to vector<256x4096xf32>
    %select_n3A_81 = arith.select %eq3A_78, %broadcast_in_dim3A_80, %select_n3A_65 : vector<256x4096xi1>, vector<256x4096xf32>
    %reduce_max3A_82 = arith.constant dense<0xFF800000> : vector<256xf32>
    %reduce_max3A_83 = vector.multi_reduction <maximumf>, %select_n3A_81, %reduce_max3A_82 [1] : vector<256x4096xf32> to vector<256xf32>
    %broadcast_in_dim3A_84 = vector.shape_cast %reduce_max3A_83 : vector<256xf32> to vector<256x1xf32>
    %eq3A_85 = vector.broadcast %broadcast_in_dim3A_84 : vector<256x1xf32> to vector<256x4096xf32>
    %eq3A_86 = arith.cmpf oeq, %select_n3A_81, %eq3A_85 : vector<256x4096xf32>
    %jit3A_87 = arith.constant 4096 : i32
    %broadcast_in_dim3A_88 = vector.broadcast %jit3A_87 : i32 to vector<256x4096xi32>
    %select_n3A_89 = arith.select %eq3A_86, %iota3A, %broadcast_in_dim3A_88 : vector<256x4096xi1>, vector<256x4096xi32>
    %reduce_min3A_90 = arith.constant dense<2147483647> : vector<256xi32>
    %reduce_min3A_91 = vector.multi_reduction <minsi>, %select_n3A_89, %reduce_min3A_90 [1] : vector<256x4096xi32> to vector<256xi32>
    %broadcast_in_dim3A_92 = vector.shape_cast %reduce_min3A_91 : vector<256xi32> to vector<256x1xi32>
    %concatenate3A = tpu.concatenate %broadcast_in_dim3A_12, %broadcast_in_dim3A_28, %broadcast_in_dim3A_44, %broadcast_in_dim3A_60, %broadcast_in_dim3A_76, %broadcast_in_dim3A_92 in 1 : vector<256x1xi32>, vector<256x1xi32>, vector<256x1xi32>, vector<256x1xi32>, vector<256x1xi32>, vector<256x1xi32> -> vector<256x6xi32>
    %swap3A = arith.constant 0 : index
    %swap3A_93 = arith.constant 0 : index
    %swap3A_94 = vector.load %arg3[%swap3A, %swap3A_93] : memref<256x6xi32, #tpu.memory_space<vmem>>, vector<256x6xi32>
    tpu.vector_store %arg3[%swap3A, %swap3A_93], %concatenate3A {strides = array<i32>} : memref<256x6xi32, #tpu.memory_space<vmem>>, vector<256x6xi32>,
    return
  }
  func.func @transform_0(%arg0: i32) -> (i32, i32) {
    %c0_i32 = arith.constant 0 : i32
    %c0_i32_0 = arith.constant 0 : i32
    return %arg0, %c0_i32 : i32, i32
  }
  func.func @transform_1(%arg0: i32) -> (i32, i32) {
    %c0_i32 = arith.constant 0 : i32
    %c0_i32_0 = arith.constant 0 : i32
    %c0_i32_1 = arith.constant 0 : i32
    return %c0_i32, %c0_i32_0 : i32, i32
  }
  func.func @transform_2(%arg0: i32) -> (i32, i32) {
    %c0_i32 = arith.constant 0 : i32
    %c0_i32_0 = arith.constant 0 : i32
    return %arg0, %c0_i32 : i32, i32
  }
}

module attributes {stable_mosaic.version = 14 : i64} {
  func.func @_gate_body(%arg0: i32, %arg1: memref<256x512xf32, #tpu.memory_space<vmem>>, %arg2: memref<6x256x512xf32, #tpu.memory_space<vmem>>, %arg3: memref<512x512xf32, #tpu.memory_space<vmem>>, %arg4: memref<1x512xf32, #tpu.memory_space<vmem>>, %arg5: memref<512x512xf32, #tpu.memory_space<vmem>>, %arg6: memref<1x512xf32, #tpu.memory_space<vmem>>, %arg7: memref<512x256xf32, #tpu.memory_space<vmem>>, %arg8: memref<1x256xf32, #tpu.memory_space<vmem>>, %arg9: memref<256x1xf32, #tpu.memory_space<vmem>>, %arg10: memref<1x1xf32, #tpu.memory_space<vmem>>, %arg11: memref<256x512xf32, #tpu.memory_space<vmem>>, %arg12: memref<256x1xf32, #tpu.memory_space<vmem>>) attributes {dimension_semantics = [#tpu.dimension_semantics<arbitrary>], iteration_bounds = array<i64: 16>, scalar_prefetch = 0 : i64, scratch_operands = 0 : i64, tpu.core_type = #tpu.core_type<tc>, window_params = [{transform_indices = @transform_0, window_bounds = array<i64: 256, 512>}, {transform_indices = @transform_1, window_bounds = array<i64: 6, 256, 512>}, {pipeline_mode = #tpu.pipeline_mode<synchronous>, transform_indices = @transform_2, window_bounds = array<i64: 512, 512>}, {pipeline_mode = #tpu.pipeline_mode<synchronous>, transform_indices = @transform_3, window_bounds = array<i64: 1, 512>}, {pipeline_mode = #tpu.pipeline_mode<synchronous>, transform_indices = @transform_4, window_bounds = array<i64: 512, 512>}, {pipeline_mode = #tpu.pipeline_mode<synchronous>, transform_indices = @transform_5, window_bounds = array<i64: 1, 512>}, {pipeline_mode = #tpu.pipeline_mode<synchronous>, transform_indices = @transform_6, window_bounds = array<i64: 512, 256>}, {pipeline_mode = #tpu.pipeline_mode<synchronous>, transform_indices = @transform_7, window_bounds = array<i64: 1, 256>}, {pipeline_mode = #tpu.pipeline_mode<synchronous>, transform_indices = @transform_8, window_bounds = array<i64: 256, 1>}, {pipeline_mode = #tpu.pipeline_mode<synchronous>, transform_indices = @transform_9, window_bounds = array<i64: 1, 1>}, {transform_indices = @transform_10, window_bounds = array<i64: 256, 512>}, {transform_indices = @transform_11, window_bounds = array<i64: 256, 1>}]} {
    %get3A = arith.constant 0 : index
    %get3A_0 = arith.constant 0 : index
    %get3A_1 = vector.load %arg1[%get3A, %get3A_0] : memref<256x512xf32, #tpu.memory_space<vmem>>, vector<256x512xf32>
    %get3A_2 = arith.constant 0 : index
    %get3A_3 = arith.constant 0 : index
    %get3A_4 = arith.constant 0 : index
    %get3A_5 = vector.load %arg2[%get3A_2, %get3A_3, %get3A_4] : memref<6x256x512xf32, #tpu.memory_space<vmem>>, vector<1x256x512xf32>
    %get3A_6 = vector.shape_cast %get3A_5 : vector<1x256x512xf32> to vector<256x512xf32>
    %get3A_7 = arith.constant 1 : index
    %get3A_8 = arith.constant 0 : index
    %get3A_9 = arith.constant 0 : index
    %get3A_10 = vector.load %arg2[%get3A_7, %get3A_8, %get3A_9] : memref<6x256x512xf32, #tpu.memory_space<vmem>>, vector<1x256x512xf32>
    %get3A_11 = vector.shape_cast %get3A_10 : vector<1x256x512xf32> to vector<256x512xf32>
    %get3A_12 = arith.constant 2 : index
    %get3A_13 = arith.constant 0 : index
    %get3A_14 = arith.constant 0 : index
    %get3A_15 = vector.load %arg2[%get3A_12, %get3A_13, %get3A_14] : memref<6x256x512xf32, #tpu.memory_space<vmem>>, vector<1x256x512xf32>
    %get3A_16 = vector.shape_cast %get3A_15 : vector<1x256x512xf32> to vector<256x512xf32>
    %get3A_17 = arith.constant 3 : index
    %get3A_18 = arith.constant 0 : index
    %get3A_19 = arith.constant 0 : index
    %get3A_20 = vector.load %arg2[%get3A_17, %get3A_18, %get3A_19] : memref<6x256x512xf32, #tpu.memory_space<vmem>>, vector<1x256x512xf32>
    %get3A_21 = vector.shape_cast %get3A_20 : vector<1x256x512xf32> to vector<256x512xf32>
    %get3A_22 = arith.constant 4 : index
    %get3A_23 = arith.constant 0 : index
    %get3A_24 = arith.constant 0 : index
    %get3A_25 = vector.load %arg2[%get3A_22, %get3A_23, %get3A_24] : memref<6x256x512xf32, #tpu.memory_space<vmem>>, vector<1x256x512xf32>
    %get3A_26 = vector.shape_cast %get3A_25 : vector<1x256x512xf32> to vector<256x512xf32>
    %get3A_27 = arith.constant 5 : index
    %get3A_28 = arith.constant 0 : index
    %get3A_29 = arith.constant 0 : index
    %get3A_30 = vector.load %arg2[%get3A_27, %get3A_28, %get3A_29] : memref<6x256x512xf32, #tpu.memory_space<vmem>>, vector<1x256x512xf32>
    %get3A_31 = vector.shape_cast %get3A_30 : vector<1x256x512xf32> to vector<256x512xf32>
    %mul3A = arith.mulf %get3A_1, %get3A_6 : vector<256x512xf32>
    %reduce_sum3A = arith.constant dense<0.000000e+00> : vector<256xf32>
    %reduce_sum3A_32 = vector.multi_reduction <add>, %mul3A, %reduce_sum3A [1] : vector<256x512xf32> to vector<256xf32>
    %broadcast_in_dim3A = vector.shape_cast %reduce_sum3A_32 : vector<256xf32> to vector<256x1xf32>
    %mul3A_33 = arith.constant 0.0441941731 : f32
    %mul3A_34 = vector.broadcast %mul3A_33 : f32 to vector<256x1xf32>
    %mul3A_35 = arith.mulf %mul3A_34, %broadcast_in_dim3A : vector<256x1xf32>
    %mul3A_36 = arith.mulf %get3A_1, %get3A_11 : vector<256x512xf32>
    %reduce_sum3A_37 = arith.constant dense<0.000000e+00> : vector<256xf32>
    %reduce_sum3A_38 = vector.multi_reduction <add>, %mul3A_36, %reduce_sum3A_37 [1] : vector<256x512xf32> to vector<256xf32>
    %broadcast_in_dim3A_39 = vector.shape_cast %reduce_sum3A_38 : vector<256xf32> to vector<256x1xf32>
    %mul3A_40 = arith.constant 0.0441941731 : f32
    %mul3A_41 = vector.broadcast %mul3A_40 : f32 to vector<256x1xf32>
    %mul3A_42 = arith.mulf %mul3A_41, %broadcast_in_dim3A_39 : vector<256x1xf32>
    %mul3A_43 = arith.mulf %get3A_1, %get3A_16 : vector<256x512xf32>
    %reduce_sum3A_44 = arith.constant dense<0.000000e+00> : vector<256xf32>
    %reduce_sum3A_45 = vector.multi_reduction <add>, %mul3A_43, %reduce_sum3A_44 [1] : vector<256x512xf32> to vector<256xf32>
    %broadcast_in_dim3A_46 = vector.shape_cast %reduce_sum3A_45 : vector<256xf32> to vector<256x1xf32>
    %mul3A_47 = arith.constant 0.0441941731 : f32
    %mul3A_48 = vector.broadcast %mul3A_47 : f32 to vector<256x1xf32>
    %mul3A_49 = arith.mulf %mul3A_48, %broadcast_in_dim3A_46 : vector<256x1xf32>
    %mul3A_50 = arith.mulf %get3A_1, %get3A_21 : vector<256x512xf32>
    %reduce_sum3A_51 = arith.constant dense<0.000000e+00> : vector<256xf32>
    %reduce_sum3A_52 = vector.multi_reduction <add>, %mul3A_50, %reduce_sum3A_51 [1] : vector<256x512xf32> to vector<256xf32>
    %broadcast_in_dim3A_53 = vector.shape_cast %reduce_sum3A_52 : vector<256xf32> to vector<256x1xf32>
    %mul3A_54 = arith.constant 0.0441941731 : f32
    %mul3A_55 = vector.broadcast %mul3A_54 : f32 to vector<256x1xf32>
    %mul3A_56 = arith.mulf %mul3A_55, %broadcast_in_dim3A_53 : vector<256x1xf32>
    %mul3A_57 = arith.mulf %get3A_1, %get3A_26 : vector<256x512xf32>
    %reduce_sum3A_58 = arith.constant dense<0.000000e+00> : vector<256xf32>
    %reduce_sum3A_59 = vector.multi_reduction <add>, %mul3A_57, %reduce_sum3A_58 [1] : vector<256x512xf32> to vector<256xf32>
    %broadcast_in_dim3A_60 = vector.shape_cast %reduce_sum3A_59 : vector<256xf32> to vector<256x1xf32>
    %mul3A_61 = arith.constant 0.0441941731 : f32
    %mul3A_62 = vector.broadcast %mul3A_61 : f32 to vector<256x1xf32>
    %mul3A_63 = arith.mulf %mul3A_62, %broadcast_in_dim3A_60 : vector<256x1xf32>
    %mul3A_64 = arith.mulf %get3A_1, %get3A_31 : vector<256x512xf32>
    %reduce_sum3A_65 = arith.constant dense<0.000000e+00> : vector<256xf32>
    %reduce_sum3A_66 = vector.multi_reduction <add>, %mul3A_64, %reduce_sum3A_65 [1] : vector<256x512xf32> to vector<256xf32>
    %broadcast_in_dim3A_67 = vector.shape_cast %reduce_sum3A_66 : vector<256xf32> to vector<256x1xf32>
    %mul3A_68 = arith.constant 0.0441941731 : f32
    %mul3A_69 = vector.broadcast %mul3A_68 : f32 to vector<256x1xf32>
    %mul3A_70 = arith.mulf %mul3A_69, %broadcast_in_dim3A_67 : vector<256x1xf32>
    %concatenate3A = tpu.concatenate %mul3A_35, %mul3A_42, %mul3A_49, %mul3A_56, %mul3A_63, %mul3A_70 in 1 : vector<256x1xf32>, vector<256x1xf32>, vector<256x1xf32>, vector<256x1xf32>, vector<256x1xf32>, vector<256x1xf32> -> vector<256x6xf32>
    %reduce_max3A = arith.constant dense<0xFF800000> : vector<256xf32>
    %reduce_max3A_71 = vector.multi_reduction <maximumf>, %concatenate3A, %reduce_max3A [1] : vector<256x6xf32> to vector<256xf32>
    %broadcast_in_dim3A_72 = vector.shape_cast %reduce_max3A_71 : vector<256xf32> to vector<256x1xf32>
    %sub3A = vector.broadcast %broadcast_in_dim3A_72 : vector<256x1xf32> to vector<256x6xf32>
    %sub3A_73 = arith.subf %concatenate3A, %sub3A : vector<256x6xf32>
    %exp3A = math.exp %sub3A_73 : vector<256x6xf32>
    %reduce_sum3A_74 = arith.constant dense<0.000000e+00> : vector<256xf32>
    %reduce_sum3A_75 = vector.multi_reduction <add>, %exp3A, %reduce_sum3A_74 [1] : vector<256x6xf32> to vector<256xf32>
    %broadcast_in_dim3A_76 = vector.shape_cast %reduce_sum3A_75 : vector<256xf32> to vector<256x1xf32>
    %div3A = vector.broadcast %broadcast_in_dim3A_76 : vector<256x1xf32> to vector<256x6xf32>
    %div3A_77 = arith.divf %exp3A, %div3A : vector<256x6xf32>
    %slice3A = vector.extract_strided_slice %div3A_77 {offsets = [0, 0], sizes = [256, 1], strides = [1, 1]} : vector<256x6xf32> to vector<256x1xf32>
    %sub3A_78 = arith.constant 2.000000e+00 : f32
    %sub3A_79 = vector.broadcast %sub3A_78 : f32 to vector<256x1xf32>
    %sub3A_80 = arith.subf %sub3A_79, %slice3A : vector<256x1xf32>
    %mul3A_81 = vector.broadcast %sub3A_80 : vector<256x1xf32> to vector<256x512xf32>
    %mul3A_82 = arith.mulf %mul3A_81, %get3A_1 : vector<256x512xf32>
    %mul3A_83 = vector.broadcast %slice3A : vector<256x1xf32> to vector<256x512xf32>
    %mul3A_84 = arith.mulf %mul3A_83, %get3A_6 : vector<256x512xf32>
    %add3A = arith.addf %mul3A_82, %mul3A_84 : vector<256x512xf32>
    %tanh3A = math.tanh %add3A : vector<256x512xf32>
    %reduce_sum3A_85 = arith.constant dense<0.000000e+00> : vector<256xf32>
    %reduce_sum3A_86 = vector.multi_reduction <add>, %get3A_6, %reduce_sum3A_85 [1] : vector<256x512xf32> to vector<256xf32>
    %broadcast_in_dim3A_87 = vector.shape_cast %reduce_sum3A_86 : vector<256xf32> to vector<256x1xf32>
    %reduce_sum3A_88 = arith.constant dense<0.000000e+00> : vector<256xf32>
    %reduce_sum3A_89 = vector.multi_reduction <add>, %tanh3A, %reduce_sum3A_88 [1] : vector<256x512xf32> to vector<256xf32>
    %broadcast_in_dim3A_90 = vector.shape_cast %reduce_sum3A_89 : vector<256xf32> to vector<256x1xf32>
    %mul3A_91 = arith.mulf %broadcast_in_dim3A_87, %broadcast_in_dim3A_90 : vector<256x1xf32>
    %slice3A_92 = vector.extract_strided_slice %div3A_77 {offsets = [0, 1], sizes = [256, 1], strides = [1, 1]} : vector<256x6xf32> to vector<256x1xf32>
    %sub3A_93 = arith.constant 2.000000e+00 : f32
    %sub3A_94 = vector.broadcast %sub3A_93 : f32 to vector<256x1xf32>
    %sub3A_95 = arith.subf %sub3A_94, %slice3A_92 : vector<256x1xf32>
    %mul3A_96 = vector.broadcast %sub3A_95 : vector<256x1xf32> to vector<256x512xf32>
    %mul3A_97 = arith.mulf %mul3A_96, %get3A_1 : vector<256x512xf32>
    %mul3A_98 = vector.broadcast %slice3A_92 : vector<256x1xf32> to vector<256x512xf32>
    %mul3A_99 = arith.mulf %mul3A_98, %get3A_11 : vector<256x512xf32>
    %add3A_100 = arith.addf %mul3A_97, %mul3A_99 : vector<256x512xf32>
    %tanh3A_101 = math.tanh %add3A_100 : vector<256x512xf32>
    %reduce_sum3A_102 = arith.constant dense<0.000000e+00> : vector<256xf32>
    %reduce_sum3A_103 = vector.multi_reduction <add>, %get3A_11, %reduce_sum3A_102 [1] : vector<256x512xf32> to vector<256xf32>
    %broadcast_in_dim3A_104 = vector.shape_cast %reduce_sum3A_103 : vector<256xf32> to vector<256x1xf32>
    %reduce_sum3A_105 = arith.constant dense<0.000000e+00> : vector<256xf32>
    %reduce_sum3A_106 = vector.multi_reduction <add>, %tanh3A_101, %reduce_sum3A_105 [1] : vector<256x512xf32> to vector<256xf32>
    %broadcast_in_dim3A_107 = vector.shape_cast %reduce_sum3A_106 : vector<256xf32> to vector<256x1xf32>
    %mul3A_108 = arith.mulf %broadcast_in_dim3A_104, %broadcast_in_dim3A_107 : vector<256x1xf32>
    %slice3A_109 = vector.extract_strided_slice %div3A_77 {offsets = [0, 2], sizes = [256, 1], strides = [1, 1]} : vector<256x6xf32> to vector<256x1xf32>
    %sub3A_110 = arith.constant 2.000000e+00 : f32
    %sub3A_111 = vector.broadcast %sub3A_110 : f32 to vector<256x1xf32>
    %sub3A_112 = arith.subf %sub3A_111, %slice3A_109 : vector<256x1xf32>
    %mul3A_113 = vector.broadcast %sub3A_112 : vector<256x1xf32> to vector<256x512xf32>
    %mul3A_114 = arith.mulf %mul3A_113, %get3A_1 : vector<256x512xf32>
    %mul3A_115 = vector.broadcast %slice3A_109 : vector<256x1xf32> to vector<256x512xf32>
    %mul3A_116 = arith.mulf %mul3A_115, %get3A_16 : vector<256x512xf32>
    %add3A_117 = arith.addf %mul3A_114, %mul3A_116 : vector<256x512xf32>
    %tanh3A_118 = math.tanh %add3A_117 : vector<256x512xf32>
    %reduce_sum3A_119 = arith.constant dense<0.000000e+00> : vector<256xf32>
    %reduce_sum3A_120 = vector.multi_reduction <add>, %get3A_16, %reduce_sum3A_119 [1] : vector<256x512xf32> to vector<256xf32>
    %broadcast_in_dim3A_121 = vector.shape_cast %reduce_sum3A_120 : vector<256xf32> to vector<256x1xf32>
    %reduce_sum3A_122 = arith.constant dense<0.000000e+00> : vector<256xf32>
    %reduce_sum3A_123 = vector.multi_reduction <add>, %tanh3A_118, %reduce_sum3A_122 [1] : vector<256x512xf32> to vector<256xf32>
    %broadcast_in_dim3A_124 = vector.shape_cast %reduce_sum3A_123 : vector<256xf32> to vector<256x1xf32>
    %mul3A_125 = arith.mulf %broadcast_in_dim3A_121, %broadcast_in_dim3A_124 : vector<256x1xf32>
    %slice3A_126 = vector.extract_strided_slice %div3A_77 {offsets = [0, 3], sizes = [256, 1], strides = [1, 1]} : vector<256x6xf32> to vector<256x1xf32>
    %sub3A_127 = arith.constant 2.000000e+00 : f32
    %sub3A_128 = vector.broadcast %sub3A_127 : f32 to vector<256x1xf32>
    %sub3A_129 = arith.subf %sub3A_128, %slice3A_126 : vector<256x1xf32>
    %mul3A_130 = vector.broadcast %sub3A_129 : vector<256x1xf32> to vector<256x512xf32>
    %mul3A_131 = arith.mulf %mul3A_130, %get3A_1 : vector<256x512xf32>
    %mul3A_132 = vector.broadcast %slice3A_126 : vector<256x1xf32> to vector<256x512xf32>
    %mul3A_133 = arith.mulf %mul3A_132, %get3A_21 : vector<256x512xf32>
    %add3A_134 = arith.addf %mul3A_131, %mul3A_133 : vector<256x512xf32>
    %tanh3A_135 = math.tanh %add3A_134 : vector<256x512xf32>
    %reduce_sum3A_136 = arith.constant dense<0.000000e+00> : vector<256xf32>
    %reduce_sum3A_137 = vector.multi_reduction <add>, %get3A_21, %reduce_sum3A_136 [1] : vector<256x512xf32> to vector<256xf32>
    %broadcast_in_dim3A_138 = vector.shape_cast %reduce_sum3A_137 : vector<256xf32> to vector<256x1xf32>
    %reduce_sum3A_139 = arith.constant dense<0.000000e+00> : vector<256xf32>
    %reduce_sum3A_140 = vector.multi_reduction <add>, %tanh3A_135, %reduce_sum3A_139 [1] : vector<256x512xf32> to vector<256xf32>
    %broadcast_in_dim3A_141 = vector.shape_cast %reduce_sum3A_140 : vector<256xf32> to vector<256x1xf32>
    %mul3A_142 = arith.mulf %broadcast_in_dim3A_138, %broadcast_in_dim3A_141 : vector<256x1xf32>
    %slice3A_143 = vector.extract_strided_slice %div3A_77 {offsets = [0, 4], sizes = [256, 1], strides = [1, 1]} : vector<256x6xf32> to vector<256x1xf32>
    %sub3A_144 = arith.constant 2.000000e+00 : f32
    %sub3A_145 = vector.broadcast %sub3A_144 : f32 to vector<256x1xf32>
    %sub3A_146 = arith.subf %sub3A_145, %slice3A_143 : vector<256x1xf32>
    %mul3A_147 = vector.broadcast %sub3A_146 : vector<256x1xf32> to vector<256x512xf32>
    %mul3A_148 = arith.mulf %mul3A_147, %get3A_1 : vector<256x512xf32>
    %mul3A_149 = vector.broadcast %slice3A_143 : vector<256x1xf32> to vector<256x512xf32>
    %mul3A_150 = arith.mulf %mul3A_149, %get3A_26 : vector<256x512xf32>
    %add3A_151 = arith.addf %mul3A_148, %mul3A_150 : vector<256x512xf32>
    %tanh3A_152 = math.tanh %add3A_151 : vector<256x512xf32>
    %reduce_sum3A_153 = arith.constant dense<0.000000e+00> : vector<256xf32>
    %reduce_sum3A_154 = vector.multi_reduction <add>, %get3A_26, %reduce_sum3A_153 [1] : vector<256x512xf32> to vector<256xf32>
    %broadcast_in_dim3A_155 = vector.shape_cast %reduce_sum3A_154 : vector<256xf32> to vector<256x1xf32>
    %reduce_sum3A_156 = arith.constant dense<0.000000e+00> : vector<256xf32>
    %reduce_sum3A_157 = vector.multi_reduction <add>, %tanh3A_152, %reduce_sum3A_156 [1] : vector<256x512xf32> to vector<256xf32>
    %broadcast_in_dim3A_158 = vector.shape_cast %reduce_sum3A_157 : vector<256xf32> to vector<256x1xf32>
    %mul3A_159 = arith.mulf %broadcast_in_dim3A_155, %broadcast_in_dim3A_158 : vector<256x1xf32>
    %slice3A_160 = vector.extract_strided_slice %div3A_77 {offsets = [0, 5], sizes = [256, 1], strides = [1, 1]} : vector<256x6xf32> to vector<256x1xf32>
    %sub3A_161 = arith.constant 2.000000e+00 : f32
    %sub3A_162 = vector.broadcast %sub3A_161 : f32 to vector<256x1xf32>
    %sub3A_163 = arith.subf %sub3A_162, %slice3A_160 : vector<256x1xf32>
    %mul3A_164 = vector.broadcast %sub3A_163 : vector<256x1xf32> to vector<256x512xf32>
    %mul3A_165 = arith.mulf %mul3A_164, %get3A_1 : vector<256x512xf32>
    %mul3A_166 = vector.broadcast %slice3A_160 : vector<256x1xf32> to vector<256x512xf32>
    %mul3A_167 = arith.mulf %mul3A_166, %get3A_31 : vector<256x512xf32>
    %add3A_168 = arith.addf %mul3A_165, %mul3A_167 : vector<256x512xf32>
    %tanh3A_169 = math.tanh %add3A_168 : vector<256x512xf32>
    %reduce_sum3A_170 = arith.constant dense<0.000000e+00> : vector<256xf32>
    %reduce_sum3A_171 = vector.multi_reduction <add>, %get3A_31, %reduce_sum3A_170 [1] : vector<256x512xf32> to vector<256xf32>
    %broadcast_in_dim3A_172 = vector.shape_cast %reduce_sum3A_171 : vector<256xf32> to vector<256x1xf32>
    %reduce_sum3A_173 = arith.constant dense<0.000000e+00> : vector<256xf32>
    %reduce_sum3A_174 = vector.multi_reduction <add>, %tanh3A_169, %reduce_sum3A_173 [1] : vector<256x512xf32> to vector<256xf32>
    %broadcast_in_dim3A_175 = vector.shape_cast %reduce_sum3A_174 : vector<256xf32> to vector<256x1xf32>
    %mul3A_176 = arith.mulf %broadcast_in_dim3A_172, %broadcast_in_dim3A_175 : vector<256x1xf32>
    %concatenate3A_177 = tpu.concatenate %mul3A_91, %mul3A_108, %mul3A_125, %mul3A_142, %mul3A_159, %mul3A_176 in 1 : vector<256x1xf32>, vector<256x1xf32>, vector<256x1xf32>, vector<256x1xf32>, vector<256x1xf32>, vector<256x1xf32> -> vector<256x6xf32>
    %reduce_max3A_178 = arith.constant dense<0xFF800000> : vector<256xf32>
    %reduce_max3A_179 = vector.multi_reduction <maximumf>, %concatenate3A_177, %reduce_max3A_178 [1] : vector<256x6xf32> to vector<256xf32>
    %broadcast_in_dim3A_180 = vector.shape_cast %reduce_max3A_179 : vector<256xf32> to vector<256x1xf32>
    %sub3A_181 = vector.broadcast %broadcast_in_dim3A_180 : vector<256x1xf32> to vector<256x6xf32>
    %sub3A_182 = arith.subf %concatenate3A_177, %sub3A_181 : vector<256x6xf32>
    %exp3A_183 = math.exp %sub3A_182 : vector<256x6xf32>
    %reduce_sum3A_184 = arith.constant dense<0.000000e+00> : vector<256xf32>
    %reduce_sum3A_185 = vector.multi_reduction <add>, %exp3A_183, %reduce_sum3A_184 [1] : vector<256x6xf32> to vector<256xf32>
    %broadcast_in_dim3A_186 = vector.shape_cast %reduce_sum3A_185 : vector<256xf32> to vector<256x1xf32>
    %div3A_187 = vector.broadcast %broadcast_in_dim3A_186 : vector<256x1xf32> to vector<256x6xf32>
    %div3A_188 = arith.divf %exp3A_183, %div3A_187 : vector<256x6xf32>
    %slice3A_189 = vector.extract_strided_slice %div3A_188 {offsets = [0, 0], sizes = [256, 1], strides = [1, 1]} : vector<256x6xf32> to vector<256x1xf32>
    %mul3A_190 = vector.broadcast %slice3A_189 : vector<256x1xf32> to vector<256x512xf32>
    %mul3A_191 = arith.mulf %mul3A_190, %get3A_6 : vector<256x512xf32>
    %slice3A_192 = vector.extract_strided_slice %div3A_188 {offsets = [0, 1], sizes = [256, 1], strides = [1, 1]} : vector<256x6xf32> to vector<256x1xf32>
    %mul3A_193 = vector.broadcast %slice3A_192 : vector<256x1xf32> to vector<256x512xf32>
    %mul3A_194 = arith.mulf %mul3A_193, %get3A_11 : vector<256x512xf32>
    %add3A_195 = arith.addf %mul3A_191, %mul3A_194 : vector<256x512xf32>
    %slice3A_196 = vector.extract_strided_slice %div3A_188 {offsets = [0, 2], sizes = [256, 1], strides = [1, 1]} : vector<256x6xf32> to vector<256x1xf32>
    %mul3A_197 = vector.broadcast %slice3A_196 : vector<256x1xf32> to vector<256x512xf32>
    %mul3A_198 = arith.mulf %mul3A_197, %get3A_16 : vector<256x512xf32>
    %add3A_199 = arith.addf %add3A_195, %mul3A_198 : vector<256x512xf32>
    %slice3A_200 = vector.extract_strided_slice %div3A_188 {offsets = [0, 3], sizes = [256, 1], strides = [1, 1]} : vector<256x6xf32> to vector<256x1xf32>
    %mul3A_201 = vector.broadcast %slice3A_200 : vector<256x1xf32> to vector<256x512xf32>
    %mul3A_202 = arith.mulf %mul3A_201, %get3A_21 : vector<256x512xf32>
    %add3A_203 = arith.addf %add3A_199, %mul3A_202 : vector<256x512xf32>
    %slice3A_204 = vector.extract_strided_slice %div3A_188 {offsets = [0, 4], sizes = [256, 1], strides = [1, 1]} : vector<256x6xf32> to vector<256x1xf32>
    %mul3A_205 = vector.broadcast %slice3A_204 : vector<256x1xf32> to vector<256x512xf32>
    %mul3A_206 = arith.mulf %mul3A_205, %get3A_26 : vector<256x512xf32>
    %add3A_207 = arith.addf %add3A_203, %mul3A_206 : vector<256x512xf32>
    %slice3A_208 = vector.extract_strided_slice %div3A_188 {offsets = [0, 5], sizes = [256, 1], strides = [1, 1]} : vector<256x6xf32> to vector<256x1xf32>
    %mul3A_209 = vector.broadcast %slice3A_208 : vector<256x1xf32> to vector<256x512xf32>
    %mul3A_210 = arith.mulf %mul3A_209, %get3A_31 : vector<256x512xf32>
    %add3A_211 = arith.addf %add3A_207, %mul3A_210 : vector<256x512xf32>
    %add3A_212 = arith.addf %get3A_1, %add3A_211 : vector<256x512xf32>
    %get3A_213 = arith.constant 0 : index
    %get3A_214 = arith.constant 0 : index
    %get3A_215 = vector.load %arg3[%get3A_213, %get3A_214] : memref<512x512xf32, #tpu.memory_space<vmem>>, vector<512x512xf32>
    %dot_general3A = arith.constant dense<0.000000e+00> : vector<256x512xf32>
    %dot_general3A_216 = tpu.matmul %add3A_212, %get3A_215, %dot_general3A {dimension_numbers = #tpu.dot_dimension_numbers<[1], [0], [0], [1], [0, 0, 1, 1], [], []>, transpose_lhs_hint = false} : vector<256x512xf32>, vector<512x512xf32>, vector<256x512xf32> -> vector<256x512xf32>
    %get3A_217 = arith.constant 0 : index
    %get3A_218 = arith.constant 0 : index
    %get3A_219 = vector.load %arg4[%get3A_217, %get3A_218] : memref<1x512xf32, #tpu.memory_space<vmem>>, vector<1x512xf32>
    %add3A_220 = vector.broadcast %get3A_219 : vector<1x512xf32> to vector<256x512xf32>
    %add3A_221 = arith.addf %dot_general3A_216, %add3A_220 : vector<256x512xf32>
    %ge3A = arith.constant 0.000000e+00 : f32
    %ge3A_222 = vector.broadcast %ge3A : f32 to vector<256x512xf32>
    %ge3A_223 = arith.cmpf oge, %add3A_221, %ge3A_222 : vector<256x512xf32>
    %mul3A_224 = arith.constant 0.00999999977 : f32
    %mul3A_225 = vector.broadcast %mul3A_224 : f32 to vector<256x512xf32>
    %mul3A_226 = arith.mulf %mul3A_225, %add3A_221 : vector<256x512xf32>
    %select_n3A = arith.select %ge3A_223, %add3A_221, %mul3A_226 : vector<256x512xi1>, vector<256x512xf32>
    %mul3A_227 = arith.mulf %get3A_1, %add3A_211 : vector<256x512xf32>
    %get3A_228 = arith.constant 0 : index
    %get3A_229 = arith.constant 0 : index
    %get3A_230 = vector.load %arg5[%get3A_228, %get3A_229] : memref<512x512xf32, #tpu.memory_space<vmem>>, vector<512x512xf32>
    %dot_general3A_231 = arith.constant dense<0.000000e+00> : vector<256x512xf32>
    %dot_general3A_232 = tpu.matmul %mul3A_227, %get3A_230, %dot_general3A_231 {dimension_numbers = #tpu.dot_dimension_numbers<[1], [0], [0], [1], [0, 0, 1, 1], [], []>, transpose_lhs_hint = false} : vector<256x512xf32>, vector<512x512xf32>, vector<256x512xf32> -> vector<256x512xf32>
    %get3A_233 = arith.constant 0 : index
    %get3A_234 = arith.constant 0 : index
    %get3A_235 = vector.load %arg6[%get3A_233, %get3A_234] : memref<1x512xf32, #tpu.memory_space<vmem>>, vector<1x512xf32>
    %add3A_236 = vector.broadcast %get3A_235 : vector<1x512xf32> to vector<256x512xf32>
    %add3A_237 = arith.addf %dot_general3A_232, %add3A_236 : vector<256x512xf32>
    %ge3A_238 = arith.constant 0.000000e+00 : f32
    %ge3A_239 = vector.broadcast %ge3A_238 : f32 to vector<256x512xf32>
    %ge3A_240 = arith.cmpf oge, %add3A_237, %ge3A_239 : vector<256x512xf32>
    %mul3A_241 = arith.constant 0.00999999977 : f32
    %mul3A_242 = vector.broadcast %mul3A_241 : f32 to vector<256x512xf32>
    %mul3A_243 = arith.mulf %mul3A_242, %add3A_237 : vector<256x512xf32>
    %select_n3A_244 = arith.select %ge3A_240, %add3A_237, %mul3A_243 : vector<256x512xi1>, vector<256x512xf32>
    %add3A_245 = arith.addf %select_n3A, %select_n3A_244 : vector<256x512xf32>
    %swap3A = arith.constant 0 : index
    %swap3A_246 = arith.constant 0 : index
    %swap3A_247 = vector.load %arg11[%swap3A, %swap3A_246] : memref<256x512xf32, #tpu.memory_space<vmem>>, vector<256x512xf32>
    tpu.vector_store %arg11[%swap3A, %swap3A_246], %add3A_245 {strides = array<i32>} : memref<256x512xf32, #tpu.memory_space<vmem>>, vector<256x512xf32>,
    %get3A_248 = arith.constant 0 : index
    %get3A_249 = arith.constant 0 : index
    %get3A_250 = vector.load %arg7[%get3A_248, %get3A_249] : memref<512x256xf32, #tpu.memory_space<vmem>>, vector<512x256xf32>
    %dot_general3A_251 = arith.constant dense<0.000000e+00> : vector<256x256xf32>
    %dot_general3A_252 = tpu.matmul %add3A_245, %get3A_250, %dot_general3A_251 {dimension_numbers = #tpu.dot_dimension_numbers<[1], [0], [0], [1], [0, 0, 1, 1], [], []>, transpose_lhs_hint = false} : vector<256x512xf32>, vector<512x256xf32>, vector<256x256xf32> -> vector<256x256xf32>
    %get3A_253 = arith.constant 0 : index
    %get3A_254 = arith.constant 0 : index
    %get3A_255 = vector.load %arg8[%get3A_253, %get3A_254] : memref<1x256xf32, #tpu.memory_space<vmem>>, vector<1x256xf32>
    %add3A_256 = vector.broadcast %get3A_255 : vector<1x256xf32> to vector<256x256xf32>
    %add3A_257 = arith.addf %dot_general3A_252, %add3A_256 : vector<256x256xf32>
    %ge3A_258 = arith.constant 0.000000e+00 : f32
    %ge3A_259 = vector.broadcast %ge3A_258 : f32 to vector<256x256xf32>
    %ge3A_260 = arith.cmpf oge, %add3A_257, %ge3A_259 : vector<256x256xf32>
    %mul3A_261 = arith.constant 0.00999999977 : f32
    %mul3A_262 = vector.broadcast %mul3A_261 : f32 to vector<256x256xf32>
    %mul3A_263 = arith.mulf %mul3A_262, %add3A_257 : vector<256x256xf32>
    %select_n3A_264 = arith.select %ge3A_260, %add3A_257, %mul3A_263 : vector<256x256xi1>, vector<256x256xf32>
    %get3A_265 = arith.constant 0 : index
    %get3A_266 = arith.constant 0 : index
    %get3A_267 = vector.load %arg9[%get3A_265, %get3A_266] : memref<256x1xf32, #tpu.memory_space<vmem>>, vector<256x1xf32>
    %dot_general3A_268 = arith.constant dense<0.000000e+00> : vector<256x1xf32>
    %dot_general3A_269 = tpu.matmul %select_n3A_264, %get3A_267, %dot_general3A_268 {dimension_numbers = #tpu.dot_dimension_numbers<[1], [0], [0], [1], [0, 0, 1, 1], [], []>, transpose_lhs_hint = false} : vector<256x256xf32>, vector<256x1xf32>, vector<256x1xf32> -> vector<256x1xf32>
    %get3A_270 = arith.constant 0 : index
    %get3A_271 = arith.constant 0 : index
    %get3A_272 = vector.load %arg10[%get3A_270, %get3A_271] : memref<1x1xf32, #tpu.memory_space<vmem>>, vector<1x1xf32>
    %add3A_273 = vector.broadcast %get3A_272 : vector<1x1xf32> to vector<256x1xf32>
    %add3A_274 = arith.addf %dot_general3A_269, %add3A_273 : vector<256x1xf32>
    %swap3A_275 = arith.constant 0 : index
    %swap3A_276 = arith.constant 0 : index
    %swap3A_277 = vector.load %arg12[%swap3A_275, %swap3A_276] : memref<256x1xf32, #tpu.memory_space<vmem>>, vector<256x1xf32>
    tpu.vector_store %arg12[%swap3A_275, %swap3A_276], %add3A_274 {strides = array<i32>} : memref<256x1xf32, #tpu.memory_space<vmem>>, vector<256x1xf32>,
    return
  }
  func.func @transform_0(%arg0: i32) -> (i32, i32) {
    %c0_i32 = arith.constant 0 : i32
    %c0_i32_0 = arith.constant 0 : i32
    return %arg0, %c0_i32 : i32, i32
  }
  func.func @transform_1(%arg0: i32) -> (i32, i32, i32) {
    %c0_i32 = arith.constant 0 : i32
    %c0_i32_0 = arith.constant 0 : i32
    %c0_i32_1 = arith.constant 0 : i32
    return %c0_i32, %arg0, %c0_i32_0 : i32, i32, i32
  }
  func.func @transform_2(%arg0: i32) -> (i32, i32) {
    %c0_i32 = arith.constant 0 : i32
    %c0_i32_0 = arith.constant 0 : i32
    %c0_i32_1 = arith.constant 0 : i32
    return %c0_i32, %c0_i32_0 : i32, i32
  }
  func.func @transform_3(%arg0: i32) -> (i32, i32) {
    %c0_i32 = arith.constant 0 : i32
    %c0_i32_0 = arith.constant 0 : i32
    %c0_i32_1 = arith.constant 0 : i32
    return %c0_i32, %c0_i32_0 : i32, i32
  }
  func.func @transform_4(%arg0: i32) -> (i32, i32) {
    %c0_i32 = arith.constant 0 : i32
    %c0_i32_0 = arith.constant 0 : i32
    %c0_i32_1 = arith.constant 0 : i32
    return %c0_i32, %c0_i32_0 : i32, i32
  }
  func.func @transform_5(%arg0: i32) -> (i32, i32) {
    %c0_i32 = arith.constant 0 : i32
    %c0_i32_0 = arith.constant 0 : i32
    %c0_i32_1 = arith.constant 0 : i32
    return %c0_i32, %c0_i32_0 : i32, i32
  }
  func.func @transform_6(%arg0: i32) -> (i32, i32) {
    %c0_i32 = arith.constant 0 : i32
    %c0_i32_0 = arith.constant 0 : i32
    %c0_i32_1 = arith.constant 0 : i32
    return %c0_i32, %c0_i32_0 : i32, i32
  }
  func.func @transform_7(%arg0: i32) -> (i32, i32) {
    %c0_i32 = arith.constant 0 : i32
    %c0_i32_0 = arith.constant 0 : i32
    %c0_i32_1 = arith.constant 0 : i32
    return %c0_i32, %c0_i32_0 : i32, i32
  }
  func.func @transform_8(%arg0: i32) -> (i32, i32) {
    %c0_i32 = arith.constant 0 : i32
    %c0_i32_0 = arith.constant 0 : i32
    %c0_i32_1 = arith.constant 0 : i32
    return %c0_i32, %c0_i32_0 : i32, i32
  }
  func.func @transform_9(%arg0: i32) -> (i32, i32) {
    %c0_i32 = arith.constant 0 : i32
    %c0_i32_0 = arith.constant 0 : i32
    %c0_i32_1 = arith.constant 0 : i32
    return %c0_i32, %c0_i32_0 : i32, i32
  }
  func.func @transform_10(%arg0: i32) -> (i32, i32) {
    %c0_i32 = arith.constant 0 : i32
    %c0_i32_0 = arith.constant 0 : i32
    return %arg0, %c0_i32 : i32, i32
  }
  func.func @transform_11(%arg0: i32) -> (i32, i32) {
    %c0_i32 = arith.constant 0 : i32
    %c0_i32_0 = arith.constant 0 : i32
    return %arg0, %c0_i32 : i32, i32
  }
}

module attributes {stable_mosaic.version = 14 : i64} {
  func.func @_readout_body(%arg0: i32, %arg1: memref<4096x512xf32, #tpu.memory_space<vmem>>, %arg2: memref<4096x1xf32, #tpu.memory_space<vmem>>, %arg3: memref<1x512xf32, #tpu.memory_space<vmem>>, %arg4: memref<1x512xf32, #tpu.memory_space<vmem>>, %arg5: memref<512x2xf32, #tpu.memory_space<vmem>>, %arg6: memref<1x2xf32, #tpu.memory_space<vmem>>, %arg7: memref<1x2xf32, #tpu.memory_space<vmem>>, %arg8: memref<1x2xf32, #tpu.memory_space<vmem>>, %arg9: memref<1x1xi32, #tpu.memory_space<vmem>>) attributes {dimension_semantics = [#tpu.dimension_semantics<arbitrary>], iteration_bounds = array<i64: 1>, scalar_prefetch = 0 : i64, scratch_operands = 0 : i64, tpu.core_type = #tpu.core_type<tc>, window_params = [{pipeline_mode = #tpu.pipeline_mode<synchronous>, transform_indices = @transform_0, window_bounds = array<i64: 4096, 512>}, {pipeline_mode = #tpu.pipeline_mode<synchronous>, transform_indices = @transform_1, window_bounds = array<i64: 4096, 1>}, {pipeline_mode = #tpu.pipeline_mode<synchronous>, transform_indices = @transform_2, window_bounds = array<i64: 1, 512>}, {pipeline_mode = #tpu.pipeline_mode<synchronous>, transform_indices = @transform_3, window_bounds = array<i64: 1, 512>}, {pipeline_mode = #tpu.pipeline_mode<synchronous>, transform_indices = @transform_4, window_bounds = array<i64: 512, 2>}, {pipeline_mode = #tpu.pipeline_mode<synchronous>, transform_indices = @transform_5, window_bounds = array<i64: 1, 2>}, {pipeline_mode = #tpu.pipeline_mode<synchronous>, transform_indices = @transform_6, window_bounds = array<i64: 1, 2>}, {pipeline_mode = #tpu.pipeline_mode<synchronous>, transform_indices = @transform_7, window_bounds = array<i64: 1, 2>}, {pipeline_mode = #tpu.pipeline_mode<synchronous>, transform_indices = @transform_8, window_bounds = array<i64: 1, 1>}]} {
    %get3A = arith.constant 0 : index
    %get3A_0 = arith.constant 0 : index
    %get3A_1 = vector.load %arg2[%get3A, %get3A_0] : memref<4096x1xf32, #tpu.memory_space<vmem>>, vector<4096x1xf32>
    %reduce_max3A = arith.constant dense<0xFF800000> : vector<1xf32>
    %reduce_max3A_2 = vector.multi_reduction <maximumf>, %get3A_1, %reduce_max3A [0] : vector<4096x1xf32> to vector<1xf32>
    %broadcast_in_dim3A = vector.shape_cast %reduce_max3A_2 : vector<1xf32> to vector<1x1xf32>
    %sub3A = vector.broadcast %broadcast_in_dim3A : vector<1x1xf32> to vector<4096x1xf32>
    %sub3A_3 = arith.subf %get3A_1, %sub3A : vector<4096x1xf32>
    %exp3A = math.exp %sub3A_3 : vector<4096x1xf32>
    %reduce_sum3A = arith.constant dense<0.000000e+00> : vector<1xf32>
    %reduce_sum3A_4 = vector.multi_reduction <add>, %exp3A, %reduce_sum3A [0] : vector<4096x1xf32> to vector<1xf32>
    %broadcast_in_dim3A_5 = vector.shape_cast %reduce_sum3A_4 : vector<1xf32> to vector<1x1xf32>
    %div3A = vector.broadcast %broadcast_in_dim3A_5 : vector<1x1xf32> to vector<4096x1xf32>
    %div3A_6 = arith.divf %exp3A, %div3A : vector<4096x1xf32>
    %get3A_7 = arith.constant 0 : index
    %get3A_8 = arith.constant 0 : index
    %get3A_9 = vector.load %arg1[%get3A_7, %get3A_8] : memref<4096x512xf32, #tpu.memory_space<vmem>>, vector<4096x512xf32>
    %mul3A = vector.broadcast %div3A_6 : vector<4096x1xf32> to vector<4096x512xf32>
    %mul3A_10 = arith.mulf %mul3A, %get3A_9 : vector<4096x512xf32>
    %reduce_sum3A_11 = arith.constant dense<0.000000e+00> : vector<512xf32>
    %reduce_sum3A_12 = vector.multi_reduction <add>, %mul3A_10, %reduce_sum3A_11 [0] : vector<4096x512xf32> to vector<512xf32>
    %broadcast_in_dim3A_13 = vector.shape_cast %reduce_sum3A_12 : vector<512xf32> to vector<1x512xf32>
    %reduce_sum3A_14 = arith.constant dense<0.000000e+00> : vector<1xf32>
    %reduce_sum3A_15 = vector.multi_reduction <add>, %broadcast_in_dim3A_13, %reduce_sum3A_14 [1] : vector<1x512xf32> to vector<1xf32>
    %broadcast_in_dim3A_16 = vector.shape_cast %reduce_sum3A_15 : vector<1xf32> to vector<1x1xf32>
    %div3A_17 = arith.constant 5.120000e+02 : f32
    %div3A_18 = vector.broadcast %div3A_17 : f32 to vector<1x1xf32>
    %div3A_19 = arith.divf %broadcast_in_dim3A_16, %div3A_18 : vector<1x1xf32>
    %sub3A_20 = vector.broadcast %div3A_19 : vector<1x1xf32> to vector<1x512xf32>
    %sub3A_21 = arith.subf %broadcast_in_dim3A_13, %sub3A_20 : vector<1x512xf32>
    %integer_pow3A = arith.mulf %sub3A_21, %sub3A_21 : vector<1x512xf32>
    %reduce_sum3A_22 = arith.constant dense<0.000000e+00> : vector<1xf32>
    %reduce_sum3A_23 = vector.multi_reduction <add>, %integer_pow3A, %reduce_sum3A_22 [1] : vector<1x512xf32> to vector<1xf32>
    %broadcast_in_dim3A_24 = vector.shape_cast %reduce_sum3A_23 : vector<1xf32> to vector<1x1xf32>
    %div3A_25 = arith.constant 5.120000e+02 : f32
    %div3A_26 = vector.broadcast %div3A_25 : f32 to vector<1x1xf32>
    %div3A_27 = arith.divf %broadcast_in_dim3A_24, %div3A_26 : vector<1x1xf32>
    %sub3A_28 = vector.broadcast %div3A_19 : vector<1x1xf32> to vector<1x512xf32>
    %sub3A_29 = arith.subf %broadcast_in_dim3A_13, %sub3A_28 : vector<1x512xf32>
    %add3A = arith.constant 9.99999974E-6 : f32
    %add3A_30 = vector.broadcast %add3A : f32 to vector<1x1xf32>
    %add3A_31 = arith.addf %div3A_27, %add3A_30 : vector<1x1xf32>
    %sqrt3A = math.sqrt %add3A_31 : vector<1x1xf32>
    %div3A_32 = vector.broadcast %sqrt3A : vector<1x1xf32> to vector<1x512xf32>
    %div3A_33 = arith.divf %sub3A_29, %div3A_32 : vector<1x512xf32>
    %get3A_34 = arith.constant 0 : index
    %get3A_35 = arith.constant 0 : index
    %get3A_36 = vector.load %arg3[%get3A_34, %get3A_35] : memref<1x512xf32, #tpu.memory_space<vmem>>, vector<1x512xf32>
    %mul3A_37 = arith.mulf %div3A_33, %get3A_36 : vector<1x512xf32>
    %get3A_38 = arith.constant 0 : index
    %get3A_39 = arith.constant 0 : index
    %get3A_40 = vector.load %arg4[%get3A_38, %get3A_39] : memref<1x512xf32, #tpu.memory_space<vmem>>, vector<1x512xf32>
    %add3A_41 = arith.addf %mul3A_37, %get3A_40 : vector<1x512xf32>
    %get3A_42 = arith.constant 0 : index
    %get3A_43 = arith.constant 0 : index
    %get3A_44 = vector.load %arg5[%get3A_42, %get3A_43] : memref<512x2xf32, #tpu.memory_space<vmem>>, vector<512x2xf32>
    %dot_general3A = arith.constant dense<0.000000e+00> : vector<1x2xf32>
    %dot_general3A_45 = tpu.matmul %add3A_41, %get3A_44, %dot_general3A {dimension_numbers = #tpu.dot_dimension_numbers<[1], [0], [0], [1], [0, 0, 1, 1], [], []>, transpose_lhs_hint = false} : vector<1x512xf32>, vector<512x2xf32>, vector<1x2xf32> -> vector<1x2xf32>
    %get3A_46 = arith.constant 0 : index
    %get3A_47 = arith.constant 0 : index
    %get3A_48 = vector.load %arg6[%get3A_46, %get3A_47] : memref<1x2xf32, #tpu.memory_space<vmem>>, vector<1x2xf32>
    %add3A_49 = arith.addf %dot_general3A_45, %get3A_48 : vector<1x2xf32>
    %swap3A = arith.constant 0 : index
    %swap3A_50 = arith.constant 0 : index
    %swap3A_51 = vector.load %arg7[%swap3A, %swap3A_50] : memref<1x2xf32, #tpu.memory_space<vmem>>, vector<1x2xf32>
    tpu.vector_store %arg7[%swap3A, %swap3A_50], %add3A_49 {strides = array<i32>} : memref<1x2xf32, #tpu.memory_space<vmem>>, vector<1x2xf32>,
    %reduce_max3A_52 = arith.constant dense<0xFF800000> : vector<1xf32>
    %reduce_max3A_53 = vector.multi_reduction <maximumf>, %add3A_49, %reduce_max3A_52 [1] : vector<1x2xf32> to vector<1xf32>
    %broadcast_in_dim3A_54 = vector.shape_cast %reduce_max3A_53 : vector<1xf32> to vector<1x1xf32>
    %sub3A_55 = vector.broadcast %broadcast_in_dim3A_54 : vector<1x1xf32> to vector<1x2xf32>
    %sub3A_56 = arith.subf %add3A_49, %sub3A_55 : vector<1x2xf32>
    %exp3A_57 = math.exp %sub3A_56 : vector<1x2xf32>
    %reduce_sum3A_58 = arith.constant dense<0.000000e+00> : vector<1xf32>
    %reduce_sum3A_59 = vector.multi_reduction <add>, %exp3A_57, %reduce_sum3A_58 [1] : vector<1x2xf32> to vector<1xf32>
    %broadcast_in_dim3A_60 = vector.shape_cast %reduce_sum3A_59 : vector<1xf32> to vector<1x1xf32>
    %div3A_61 = vector.broadcast %broadcast_in_dim3A_60 : vector<1x1xf32> to vector<1x2xf32>
    %div3A_62 = arith.divf %exp3A_57, %div3A_61 : vector<1x2xf32>
    %swap3A_63 = arith.constant 0 : index
    %swap3A_64 = arith.constant 0 : index
    %swap3A_65 = vector.load %arg8[%swap3A_63, %swap3A_64] : memref<1x2xf32, #tpu.memory_space<vmem>>, vector<1x2xf32>
    tpu.vector_store %arg8[%swap3A_63, %swap3A_64], %div3A_62 {strides = array<i32>} : memref<1x2xf32, #tpu.memory_space<vmem>>, vector<1x2xf32>,
    %slice3A = vector.extract_strided_slice %add3A_49 {offsets = [0, 1], sizes = [1, 1], strides = [1, 1]} : vector<1x2xf32> to vector<1x1xf32>
    %slice3A_66 = vector.extract_strided_slice %add3A_49 {offsets = [0, 0], sizes = [1, 1], strides = [1, 1]} : vector<1x2xf32> to vector<1x1xf32>
    %gt3A = arith.cmpf ogt, %slice3A, %slice3A_66 : vector<1x1xf32>
    %jit3A = arith.constant 1 : i32
    %jit3A_67 = arith.constant 0 : i32
    %broadcast_in_dim3A_68 = vector.broadcast %jit3A : i32 to vector<1x1xi32>
    %broadcast_in_dim3A_69 = vector.broadcast %jit3A_67 : i32 to vector<1x1xi32>
    %select_n3A = arith.select %gt3A, %broadcast_in_dim3A_68, %broadcast_in_dim3A_69 : vector<1x1xi1>, vector<1x1xi32>
    %swap3A_70 = arith.constant 0 : index
    %swap3A_71 = arith.constant 0 : index
    %swap3A_72 = vector.load %arg9[%swap3A_70, %swap3A_71] : memref<1x1xi32, #tpu.memory_space<vmem>>, vector<1x1xi32>
    tpu.vector_store %arg9[%swap3A_70, %swap3A_71], %select_n3A {strides = array<i32>} : memref<1x1xi32, #tpu.memory_space<vmem>>, vector<1x1xi32>,
    return
  }
  func.func @transform_0(%arg0: i32) -> (i32, i32) {
    %c0_i32 = arith.constant 0 : i32
    %c0_i32_0 = arith.constant 0 : i32
    %c0_i32_1 = arith.constant 0 : i32
    return %c0_i32, %c0_i32_0 : i32, i32
  }
  func.func @transform_1(%arg0: i32) -> (i32, i32) {
    %c0_i32 = arith.constant 0 : i32
    %c0_i32_0 = arith.constant 0 : i32
    %c0_i32_1 = arith.constant 0 : i32
    return %c0_i32, %c0_i32_0 : i32, i32
  }
  func.func @transform_2(%arg0: i32) -> (i32, i32) {
    %c0_i32 = arith.constant 0 : i32
    %c0_i32_0 = arith.constant 0 : i32
    %c0_i32_1 = arith.constant 0 : i32
    return %c0_i32, %c0_i32_0 : i32, i32
  }
  func.func @transform_3(%arg0: i32) -> (i32, i32) {
    %c0_i32 = arith.constant 0 : i32
    %c0_i32_0 = arith.constant 0 : i32
    %c0_i32_1 = arith.constant 0 : i32
    return %c0_i32, %c0_i32_0 : i32, i32
  }
  func.func @transform_4(%arg0: i32) -> (i32, i32) {
    %c0_i32 = arith.constant 0 : i32
    %c0_i32_0 = arith.constant 0 : i32
    %c0_i32_1 = arith.constant 0 : i32
    return %c0_i32, %c0_i32_0 : i32, i32
  }
  func.func @transform_5(%arg0: i32) -> (i32, i32) {
    %c0_i32 = arith.constant 0 : i32
    %c0_i32_0 = arith.constant 0 : i32
    %c0_i32_1 = arith.constant 0 : i32
    return %c0_i32, %c0_i32_0 : i32, i32
  }
  func.func @transform_6(%arg0: i32) -> (i32, i32) {
    %c0_i32 = arith.constant 0 : i32
    %c0_i32_0 = arith.constant 0 : i32
    %c0_i32_1 = arith.constant 0 : i32
    return %c0_i32, %c0_i32_0 : i32, i32
  }
  func.func @transform_7(%arg0: i32) -> (i32, i32) {
    %c0_i32 = arith.constant 0 : i32
    %c0_i32_0 = arith.constant 0 : i32
    %c0_i32_1 = arith.constant 0 : i32
    return %c0_i32, %c0_i32_0 : i32, i32
  }
  func.func @transform_8(%arg0: i32) -> (i32, i32) {
    %c0_i32 = arith.constant 0 : i32
    %c0_i32_0 = arith.constant 0 : i32
    %c0_i32_1 = arith.constant 0 : i32
    return %c0_i32, %c0_i32_0 : i32, i32
  }
}

</mosaic_0001>

<sc_bundles>
// kernel: kernel.8.cloned.1.call-start
scs
__scs_entry_jumppad:
0x0: {  	(pc) =	sbr.rel $0x88, $3  }
0x1: {  	(tag) =	ssettag $0x0;
	lr =	simm.s32 $0x1  }
0x2: {  	[smem:$0x3F8E] =	sst lr;
	_ =	strace $0xD0000000  }
0x3: {  	_ = 	snop  }
0x4: {  	_ = 	snop  }
0x5: {  	_ = 	snop  }
0x6: {  	_ = 	snop  }
0x7: {  	_ = 	snop  }
__scs_overlays_trampoline_lowered:
0x8: {  	[smem:$0x3F9D] =	sst s0  }
0x9: {  	[smem:$0x3F9E] =	sst s1  }
0xa: {  	[smem:$0x3F9F] =	sst s2  }
0xb: {  	[smem:$0x3FA0] =	sst s3  }
0xc: {  	[smem:$0x3FA1] =	sst s4  }
0xd: {  	[smem:$0x3FA2] =	sst s5  }
0xe: {  	[smem:$0x3FA3] =	sst s6  }
0xf: {  	[smem:$0x3FA4] =	sst s7  }
0x10: {  	[smem:$0x3FA5] =	sst s8  }
0x11: {  	[smem:$0x3FA6] =	sst s9;
	s0 =	simm.s32 @!p0 $0x0  }
0x12: {  	s1 =	sld [smem:$0x3F8C];
	s0 =	simm.s32 @p0 $0x1  }
0x13: {  	[smem:$0x3FA7] =	sst s0;
	s0 =	simm.s32 @!p1 $0x0  }
0x14: {  	s2 =	sld [smem:$0x3F8B];
	s0 =	simm.s32 @p1 $0x1  }
0x15: {  	[smem:$0x3FA8] =	sst s0;
	s0 =	simm.s32 @!p2 $0x0  }
0x16: {  	s3 =	sld [smem:$0x3FDB];
	s0 =	simm.s32 @p2 $0x1  }
0x17: {  	s4 =	simm.s32 $0x1BF5;
	[smem:$0x3FAA] =	sst s0  }
0x18: {  	s0 =	sld [smem:$0x3F8D];
	_ =	swait.ge [sflag:s4], $0x0  }
0x19: {  	s7 =	sld [smem:$0x3F8E]  }
0x1a: {  	s8 =	sadd.s32 $0xFFFFE003, lr  }
0x1b: {  	s9 =	sadd.s32 $0xFFFFFEF7, lr;
	s5 =	simm.s32 $0xFFFFFFFF;
	p2 =	slt.u32 s8, $0xFFFFF086  }
0x1c: {  	p1 =	slt.u32 s9, $0xF7A;
	s5 =	simm.s32 @!p2 $0x0  }
0x1d: {  	s5 =	simm.s32 @p1 $0x1;
	p0 =	seq.s32 s7, s2  }
0x1e: {  	s7 =	smul.u32 @!p0 $0xF7A, s2;
	p2 =	seq.s32 @!p0 s5, $0x0  }
0x1f: {  	s9 =	smul.u32 $0xF7A, s1;
	s8 =	simm.s32 @!p0 $0x1BF5;
	p2 =	por !p2, p0  }
0x20: {  	[sflag:s8] =	ssyncset.s32 @!p0 $0xFFFFF086;
	s6 =	sadd.s32 @!p0 s3, s7;
	s7 =	simm.s32 @!p0 $0x108  }
0x21: {  	s3 =	sadd.s32 s3, s9;
	s6 =	sadd.s32 @!p0 $0x88, s6;
	s7 =	simm.s32 @p2 $0x1082  }
0x22: {  	[simem:s7], [sflag:s8] =	dma.local @!p0 [hbm:s6], $0xF7A  }
0x23: {  	s9 =	sor.u32 $0xD0000000, s2;
	s6 =	simm.s32 $0x108;
	_ =	swait.ge @!p0 [sflag:s8], $0x0  }
0x24: {  	s3 =	sadd.s32 $0x88, s3;
	s6 =	simm.s32 @!p1 $0x1082;
	[sflag:s4] =	ssyncset.s32 $0xFFFFF086  }
0x25: {  	[simem:s6], [sflag:s4] =	dma.local [hbm:s3], $0xF7A  }
0x26: {  	[smem:$0x3F8E] =	sst s1;
	(tag) =	ssettag s2;
	_ =	strace s9  }
0x27: {  	s1 =	sld [smem:$0x3F9E]  }
0x28: {  	s2 =	sld [smem:$0x3F9F]  }
0x29: {  	s4 =	sld [smem:$0x3FA1]  }
0x2a: {  	p0 =	seq.s32 s5, $0x0;
	s5 =	sld [smem:$0x3FA2]  }
0x2b: {  	s6 =	sld [smem:$0x3FA3]  }
0x2c: {  	s7 =	sld [smem:$0x3FA4]  }
0x2d: {  	s3 =	simm.s32 $0x108;
	s8 =	sld [smem:$0x3FA5]  }
0x2e: {  	s3 =	simm.s32 @!p0 $0x1082;
	s9 =	sld [smem:$0x3FA6]  }
0x2f: {  	lr =	sadd.s32 s0, s3;
	s0 =	sld [smem:$0x3F9D]  }
0x30: {  	s3 =	sld [smem:$0x3FA0]  }
0x31: {  	[smem:$0x3FA9] =	sst s10  }
0x32: {  	s10 =	sld [smem:$0x3FA7];
	_ =	sdelay $0x3  }
0x33: {  	p0 =	seq.s32 s10, $0x1;
	s10 =	sld [smem:$0x3FA9];
	_ =	sdelay $0x3  }
0x34: {  	[smem:$0x3FA9] =	sst s10  }
0x35: {  	s10 =	sld [smem:$0x3FA8];
	_ =	sdelay $0x3  }
0x36: {  	p1 =	seq.s32 s10, $0x1;
	s10 =	sld [smem:$0x3FA9];
	_ =	sdelay $0x3  }
0x37: {  	[smem:$0x3FA9] =	sst s10  }
0x38: {  	s10 =	sld [smem:$0x3FAA]  }
0x39: {  	_ = 	snop;
	(pc) =	sbr.ind lr, $3  }
0x3a: {  	_ = 	snop  }
0x3b: {  	_ = 	snop  }
0x3c: {  	p2 =	seq.s32 s10, $0x1;
	s10 =	sld [smem:$0x3FA9]  }
0x3d: {  	_ =	shalt  }
0x3e: {  	_ =	shalt  }
0x3f: {  	_ =	shalt  }
0x40: {  	_ =	shalt  }
0x41: {  	_ =	shalt  }
0x42: {  	_ =	shalt  }
0x43: {  	_ =	shalt  }
0x44: {  	_ =	shalt  }
0x45: {  	_ =	shalt  }
0x46: {  	_ =	shalt  }
0x47: {  	_ =	shalt  }
0x48: {  	_ =	shalt  }
0x49: {  	_ =	shalt  }
0x4a: {  	_ =	shalt  }
0x4b: {  	_ =	shalt  }
0x4c: {  	_ =	shalt  }
0x4d: {  	_ =	shalt  }
0x4e: {  	_ =	shalt  }
0x4f: {  	_ =	shalt  }
0x50: {  	_ =	shalt  }
0x51: {  	_ =	shalt  }
0x52: {  	_ =	shalt  }
0x53: {  	_ =	shalt  }
0x54: {  	_ =	shalt  }
0x55: {  	_ =	shalt  }
0x56: {  	_ =	shalt  }
0x57: {  	_ =	shalt  }
0x58: {  	_ =	shalt  }
0x59: {  	_ =	shalt  }
0x5a: {  	_ =	shalt  }
0x5b: {  	_ =	shalt  }
0x5c: {  	_ =	shalt  }
0x5d: {  	_ =	shalt  }
0x5e: {  	_ =	shalt  }
0x5f: {  	_ =	shalt  }
0x60: {  	_ =	shalt  }
0x61: {  	_ =	shalt  }
0x62: {  	_ =	shalt  }
0x63: {  	_ =	shalt  }
0x64: {  	_ =	shalt  }
0x65: {  	_ =	shalt  }
0x66: {  	_ =	shalt  }
0x67: {  	_ =	shalt  }
0x68: {  	_ =	shalt  }
0x69: {  	_ =	shalt  }
0x6a: {  	_ =	shalt  }
0x6b: {  	_ =	shalt  }
0x6c: {  	_ =	shalt  }
0x6d: {  	_ =	shalt  }
0x6e: {  	_ =	shalt  }
0x6f: {  	_ =	shalt  }
0x70: {  	_ =	shalt  }
0x71: {  	_ =	shalt  }
0x72: {  	_ =	shalt  }
0x73: {  	_ =	shalt  }
0x74: {  	_ =	shalt  }
0x75: {  	_ =	shalt  }
0x76: {  	_ =	shalt  }
0x77: {  	_ =	shalt  }
0x78: {  	_ =	shalt  }
0x79: {  	_ =	shalt  }
0x7a: {  	_ =	shalt  }
0x7b: {  	_ =	shalt  }
0x7c: {  	_ =	shalt  }
0x7d: {  	_ =	shalt  }
0x7e: {  	_ =	shalt  }
0x7f: {  	_ =	shalt  }
0x80: {  	_ =	shalt  }
0x81: {  	_ =	shalt  }
0x82: {  	_ =	shalt  }
0x83: {  	_ =	shalt  }
0x84: {  	_ =	shalt  }
0x85: {  	_ =	shalt  }
0x86: {  	_ =	shalt  }
0x87: {  	_ =	shalt  }
.Lfunc_end0:
.L_simem_size_0:
called_computation_lowered:
.L_overlay_start_0:
0x88: {  	s2 =	sld [smem:$0x3FD9]  }
0x89: {  	s3 =	sld [smem:$0x3FFE];
	_ =	sdelay $0x1  }
0x8a: {  	s1 =	srdreg.scid  }
0x8b: {  	s0 =	sand.u32 $0x1, s1  }
0x8c: {  	s16 =	sshll.u32 s0, $0xA;
	s2 =	sadd.s32 s3, s2  }
0x8d: {  	s2 =	sadd.s32 s2, s16  }
0x8e: {  	[smem:$0x3FB5] =	sst s2  }
0x8f: {  	_ = 	snop  }
0x90: {  	(tm) =	ssettm $0x1  }
0x91: {  	s17 =	sld [smem:$0x3FFB];
	_ =	sdelay $0x3  }
0x92: {  	_ =	strace s17  }
0x93: {  	s2 =	sld [smem:$0x3FFC];
	_ =	sdelay $0x3  }
0x94: {  	_ =	strace s2  }
0x95: {  	s2 =	sld [smem:$0x3FFD];
	_ =	sdelay $0x3  }
0x96: {  	_ =	strace s2  }
0x97: {  	_ =	strace $0x8FFFFFFF  }
0x98: {  	s18 =	sld [smem:$0x3FDB];
	_ =	sdelay $0x1  }
0x99: {  	s19 =	simm.s32 $_scs_section_size  }
0x9a: {  	s4 =	simm.s32 $_size__tile_overlayer_lowered;
	s5 =	simm.s32 $_tile_overlayer_lowered  }
0x9b: {  	s22 =	simm.s32 $0x1BFF;
	s21 =	sshll.u32 s5, $0x1;
	s2 =	sadd.s32 s19, s18  }
0x9c: {  	s6 =	simm.s32 $0x0;
	s20 =	sshll.u32 s4, $0x1;
	s4 =	sadd.s32 s21, s2  }
0x9d: {  	[timem:s6], [sflag:s22] =	dma.local [hbm:s4], s20  }
0x9e: {  	_ =	swait.ge [sflag:s22], s20  }
0x9f: {  	s3 =	ssub.s32 $0x0, s20;
	[sflag:s22] =	ssyncset.done $0x0  }
0xa0: {  	[sflag:s22] =	ssyncadd.s32 s3;
	_ =	sdelay $0x1  }
0xa1: {  	s23 =	simm.s32 $0x1B8B  }
0xa2: {  	_ =	swait.ge [sflag:s23], $0x1  }
0xa3: {  	[sflag:s23] =	ssyncset.done $0x0  }
0xa4: {  	s25 =	simm.s32 $0x1B8E;
	s24 =	sld [smem:$0x3FFE];
	[sflag:s23] =	ssyncadd.s32 $0xFFFFFFFF  }
0xa5: {  	s26 =	simm.s32 $execute0_lowered;
	[smem:$0x3FD2] =	sst s25  }
0xa6: {  	s4 =	sshll.u32 s26, $0x1;
	_ =	strace $0x80000046;
	[dreg:$0x1] =	wrdreg $0xFFFFFFFF  }
0xa7: {  	s28 =	simm.s32 $_size_execute0_lowered;
	s2 =	sadd.s32 s2, s4;
	[dreg:$0x0] =	wrdreg $0x0  }
0xa8: {  	s4 =	sshll.u32 s28, $0x1;
	[dreg:$0x2] =	wrdreg s2  }
0xa9: {  	[dreg:$0x3] =	wrdreg s4  }
0xaa: {  	[dreg:$0x4] =	wrdreg $0xC0  }
0xab: {  	_ =	task [dreg:s6], $0x5FFFF  }
0xac: {  	[dreg:$0x1] =	wrdreg $0xFFFFFFFF  }
0xad: {  	[dreg:$0x0] =	wrdreg $0x60  }
0xae: {  	[dreg:$0x2] =	wrdreg s24  }
0xaf: {  	[dreg:$0x3] =	wrdreg $0x9  }
0xb0: {  	_ =	task.clear_ibuf [dreg:s6], $0x4FFFF;
	_ =	strace $0x90000046  }
0xb1: {  	s29 =	simm.s32 $0x9;
	_ =	strace $0x80000048  }
0xb2: {  	_ =	swait.ge [sflag:s29], $0x1  }
0xb3: {  	[sflag:s29] =	ssyncadd.s32 $0xFFFFFFFF  }
0xb4: {  	_ =	strace $0x90000048  }
0xb5: {  	_ =	sfence  }
0xb6: {  	s30 =	sld [smem:$0x0];
	_ =	sdelay $0x2  }
0xb7: {  	s31 =	sshll.u32 s1, $0xD;
	s1 =	sshrl.u32 s1, $0x2  }
0xb8: {  	s3 =	sand.u32 $0x4000, s31;
	s1 =	sadd.s32 s1, s30  }
0xb9: {  	s0 =	sor.u32 s3, s0;
	s1 =	sshll.u32 s1, $0x11  }
0xba: {  	s0 =	sor.u32 s1, s0  }
0xbb: {  	s0 =	sadd.s32 $0x8F2B, s0  }
0xbc: {  	[sflag:s0] =	ssyncadd.remote.s32 $0x1  }
0xbd: {  	_ =	sfence.sel $0xFFFF  }
0xbe: {  	[dreg:$0x0] =	wrdreg $0xFFFFFFFF;
	(pc) =	sbr.abs _section_cstart, $3  }
0xbf: {  	[dreg:$0x1] =	wrdreg $0xFFFFFFFF  }
0xc0: {  	_ =	task.clear_ibuf [dreg:s6], $0x2FFFF;
	_ =	strace $0x9FFFFFFF  }
0xc1: {  	(tm) =	ssettm $0x7FFFFFFF  }
tec
execute0_lowered:
.L_overlay_start_1:
0x0: {  	(tag) =	ssettag $0x1  }
0x1: {  	s0 =	srdreg.scid;
	s1 =	stileid.u32  }
0x2: {  	s0 =	sand.u32 $0x1, s0;
	s1 =	sshll.u32 s1, $0x1  }
0x3: {  	s3 =	rddreg [dreg:$0x0];
	s2 =	simm.s32 $0x0;
	s1 =	sor.u32 s0, s1  }
0x4: {  	s31 =	simm.s32 $0x1;
	s7 =	simm.s32 $0x4;
	s4 =	smul.u32 $0x60, s1  }
0x5: {  	s8 =	simm.s32 $0x300;
	[smem:$0x7FF] =	sst s2;
	s5 =	smul.u32 $0xC000, s1  }
0x6: {  	s6 =	sadd.s32 $0x43600, s3;
	_ =	strace $0x80000047;
	s0 =	ssub.s32 $0x2, s0  }
0x7: {  	s1 =	smul.u32 $0x60000, s1;
	s4 =	sadd.s32 s4, s3;
	s5 =	sadd.s32 s6, s5  }
0x8: {  	s30 =	sshrl.u32 s0, $0x1;
	s4 =	sadd.s32 $0x42A00, s4;
	[dreg:$0xa] =	wrdreg s5  }
0x9: {  	s1 =	sshrl.u32 s1, $0x3;
	s23 =	sadd.s32 $0x1800, s5;
	[dreg:$0x2] =	wrdreg s4  }
0xa: {  	s24 =	sadd.s32 $0x3000, s5;
	s1 =	sadd.s32 s6, s1;
	[dreg:$0x3] =	wrdreg s23  }
0xb: {  	s0 =	ssub.s32 s0, s30;
	[dreg:$0x4] =	wrdreg s24;
	s25 =	sadd.s32 $0x4800, s1  }
0xc: {  	s5 =	sadd.s32 $0x2B00, s3;
	s26 =	sadd.s32 $0x6000, s1;
	[dreg:$0x5] =	wrdreg s25  }
0xd: {  	s6 =	smax.u32 s0, $0x1;
	s28 =	sadd.s32 $0x7800, s1;
	[dreg:$0x6] =	wrdreg s26  }
0xe: {  	v2 =	vlaneseq.u32;
	s0 =	simm.s32 $0xC300;
	s29 =	sadd.s32 $0x9000, s1;
	[dreg:$0x7] =	wrdreg s28  }
0xf: {  	vm0 =	vmmov $0xffff;
	v1 =	vshrl.u32 v2, $0x3;
	s4 =	sadd.s32 $0x2A00, s3;
	s1 =	sadd.s32 $0xA800, s1;
	[dreg:$0x8] =	wrdreg s29  }
0x10: {  	v0 =	vand.u32 $0x7, v2;
	v2 =	vor.u32 $0x8, v2;
	v1 =	vmul.u32 $0x8, v1;
	s3 =	simm.s32 $0x2;
	[dreg:$0x9] =	wrdreg s1;
	s1 =	simm.s32 $0x3  }
.LBB2_1:
0x11: {  	s9 =	rddreg [dreg:$0x2];
	s28 =	simm.s32 $0x5  }
0x12: {  	[tilespmem:s2], [sflag:$0x5] =	stream.linear.gather [hbm4b:s9+s2], $0x300, $0x38;
	[tilespmem:$0x18300] =	vst v63  }
0x13: {  	_ =	swait.ge [sflag:s28], $0x300  }
0x14: {  	[sflag:s28] =	ssyncset.done $0x0  }
0x15: {  	[sflag:s28] =	ssyncadd.s32 $0xFFFFFD00  }
0x16: {  	v3 =	vld [tilespmem:$0x0];
	_ =	sdelay $0x4  }
0x17: {  	v4 =	vshll.u32 v3, $0x2  }
0x18: {  	v3 =	vand.u32 $0x7, v3;
	v4 =	vand.u32 $0xFFFFFFE0, v4  }
0x19: {  	v3 =	vor.u32 v3, v4  }
0x1a: {  	v4 =	vperm.xlane v3, v0;
	_ =	sdelay $0x1  }
0x1b: {  	v4 =	vadd.s32 v1, v4;
	_ =	sdelay $0x1  }
0x1c: {  	v3 =	vperm.xlane v3, v2;
	_ =	sdelay $0x1  }
0x1d: {  	v3 =	vadd.s32 v1, v3  }
0x1e: {  	[tilespmem:s8], [sflag:$0x1] =	stream.indirect_vreg.gather [hbm4b:s4+s2], $0x80, v4, vm0, $0xb8;
	[tilespmem:$0x18300] =	vst v63  }
0x1f: {  	s29 =	simm.s32 $0xB00  }
0x20: {  	[tilespmem:s29], [sflag:$0x1] =	stream.indirect_vreg.gather [hbm4b:s5+s2], $0x80, v4, vm0, $0xb8;
	[tilespmem:$0x18300] =	vst v63  }
0x21: {  	s30 =	simm.s32 $0x1300  }
0x22: {  	[tilespmem:s30], [sflag:$0x1] =	stream.indirect_vreg.gather [hbm4b:s4+s2], $0x80, v3, vm0, $0xb8;
	[tilespmem:$0x18300] =	vst v63  }
0x23: {  	s10 =	simm.s32 $0x1B00  }
0x24: {  	[tilespmem:s10], [sflag:$0x1] =	stream.indirect_vreg.gather [hbm4b:s5+s2], $0x80, v3, vm0, $0xb8;
	[tilespmem:$0x18300] =	vst v63  }
0x25: {  	v3 =	vld [tilespmem:$0x10];
	_ =	sdelay $0x4  }
0x26: {  	v17 =	vshll.u32 v3, $0x2  }
0x27: {  	v3 =	vand.u32 $0x7, v3;
	v4 =	vand.u32 $0xFFFFFFE0, v17  }
0x28: {  	v3 =	vor.u32 v3, v4  }
0x29: {  	v4 =	vperm.xlane v3, v0;
	_ =	sdelay $0x1  }
0x2a: {  	v4 =	vadd.s32 v1, v4;
	_ =	sdelay $0x1  }
0x2b: {  	v3 =	vperm.xlane v3, v2;
	_ =	sdelay $0x1  }
0x2c: {  	s11 =	simm.s32 $0x2300;
	v3 =	vadd.s32 v1, v3  }
0x2d: {  	[tilespmem:s11], [sflag:$0x1] =	stream.indirect_vreg.gather [hbm4b:s4+s2], $0x80, v4, vm0, $0xb8;
	[tilespmem:$0x18300] =	vst v63  }
0x2e: {  	s13 =	simm.s32 $0x2B00  }
0x2f: {  	[tilespmem:s13], [sflag:$0x1] =	stream.indirect_vreg.gather [hbm4b:s5+s2], $0x80, v4, vm0, $0xb8;
	[tilespmem:$0x18300] =	vst v63  }
0x30: {  	s14 =	simm.s32 $0x3300  }
0x31: {  	[tilespmem:s14], [sflag:$0x1] =	stream.indirect_vreg.gather [hbm4b:s4+s2], $0x80, v3, vm0, $0xb8;
	[tilespmem:$0x18300] =	vst v63  }
0x32: {  	s15 =	simm.s32 $0x3B00  }
0x33: {  	[tilespmem:s15], [sflag:$0x1] =	stream.indirect_vreg.gather [hbm4b:s5+s2], $0x80, v3, vm0, $0xb8;
	[tilespmem:$0x18300] =	vst v63  }
0x34: {  	v3 =	vld [tilespmem:$0x20];
	_ =	sdelay $0x4  }
0x35: {  	v18 =	vshll.u32 v3, $0x2  }
0x36: {  	v3 =	vand.u32 $0x7, v3;
	v4 =	vand.u32 $0xFFFFFFE0, v18  }
0x37: {  	v3 =	vor.u32 v3, v4  }
0x38: {  	v4 =	vperm.xlane v3, v0;
	_ =	sdelay $0x1  }
0x39: {  	v4 =	vadd.s32 v1, v4;
	_ =	sdelay $0x1  }
0x3a: {  	v3 =	vperm.xlane v3, v2;
	_ =	sdelay $0x1  }
0x3b: {  	s20 =	simm.s32 $0x4300;
	v3 =	vadd.s32 v1, v3  }
0x3c: {  	[tilespmem:s20], [sflag:$0x1] =	stream.indirect_vreg.gather [hbm4b:s4+s2], $0x80, v4, vm0, $0xb8;
	[tilespmem:$0x18300] =	vst v63  }
0x3d: {  	s21 =	simm.s32 $0x4B00  }
0x3e: {  	[tilespmem:s21], [sflag:$0x1] =	stream.indirect_vreg.gather [hbm4b:s5+s2], $0x80, v4, vm0, $0xb8;
	[tilespmem:$0x18300] =	vst v63  }
0x3f: {  	s22 =	simm.s32 $0x5300  }
0x40: {  	[tilespmem:s22], [sflag:$0x1] =	stream.indirect_vreg.gather [hbm4b:s4+s2], $0x80, v3, vm0, $0xb8;
	[tilespmem:$0x18300] =	vst v63  }
0x41: {  	s23 =	simm.s32 $0x5B00  }
0x42: {  	[tilespmem:s23], [sflag:$0x1] =	stream.indirect_vreg.gather [hbm4b:s5+s2], $0x80, v3, vm0, $0xb8;
	[tilespmem:$0x18300] =	vst v63  }
0x43: {  	v3 =	vld [tilespmem:$0x30];
	_ =	sdelay $0x4  }
0x44: {  	v19 =	vshll.u32 v3, $0x2  }
0x45: {  	v3 =	vand.u32 $0x7, v3;
	v4 =	vand.u32 $0xFFFFFFE0, v19  }
0x46: {  	v3 =	vor.u32 v3, v4  }
0x47: {  	v4 =	vperm.xlane v3, v0;
	_ =	sdelay $0x1  }
0x48: {  	v4 =	vadd.s32 v1, v4;
	_ =	sdelay $0x1  }
0x49: {  	v3 =	vperm.xlane v3, v2;
	_ =	sdelay $0x1  }
0x4a: {  	s24 =	simm.s32 $0x6300;
	v3 =	vadd.s32 v1, v3  }
0x4b: {  	[tilespmem:s24], [sflag:$0x1] =	stream.indirect_vreg.gather [hbm4b:s4+s2], $0x80, v4, vm0, $0xb8;
	[tilespmem:$0x18300] =	vst v63  }
0x4c: {  	s25 =	simm.s32 $0x6B00  }
0x4d: {  	[tilespmem:s25], [sflag:$0x1] =	stream.indirect_vreg.gather [hbm4b:s5+s2], $0x80, v4, vm0, $0xb8;
	[tilespmem:$0x18300] =	vst v63  }
0x4e: {  	s26 =	simm.s32 $0x7300  }
0x4f: {  	[tilespmem:s26], [sflag:$0x1] =	stream.indirect_vreg.gather [hbm4b:s4+s2], $0x80, v3, vm0, $0xb8;
	[tilespmem:$0x18300] =	vst v63  }
0x50: {  	s28 =	simm.s32 $0x7B00  }
0x51: {  	[tilespmem:s28], [sflag:$0x1] =	stream.indirect_vreg.gather [hbm4b:s5+s2], $0x80, v3, vm0, $0xb8;
	[tilespmem:$0x18300] =	vst v63  }
0x52: {  	v3 =	vld [tilespmem:$0x40];
	_ =	sdelay $0x4  }
0x53: {  	v20 =	vshll.u32 v3, $0x2  }
0x54: {  	v3 =	vand.u32 $0x7, v3;
	v4 =	vand.u32 $0xFFFFFFE0, v20  }
0x55: {  	v3 =	vor.u32 v3, v4  }
0x56: {  	v4 =	vperm.xlane v3, v0;
	_ =	sdelay $0x1  }
0x57: {  	v4 =	vadd.s32 v1, v4;
	_ =	sdelay $0x1  }
0x58: {  	v3 =	vperm.xlane v3, v2;
	_ =	sdelay $0x1  }
0x59: {  	s29 =	simm.s32 $0x8300;
	v3 =	vadd.s32 v1, v3  }
0x5a: {  	[tilespmem:s29], [sflag:$0x1] =	stream.indirect_vreg.gather [hbm4b:s4+s2], $0x80, v4, vm0, $0xb8;
	[tilespmem:$0x18300] =	vst v63  }
0x5b: {  	s30 =	simm.s32 $0x8B00  }
0x5c: {  	[tilespmem:s30], [sflag:$0x1] =	stream.indirect_vreg.gather [hbm4b:s5+s2], $0x80, v4, vm0, $0xb8;
	[tilespmem:$0x18300] =	vst v63  }
0x5d: {  	s10 =	simm.s32 $0x9300  }
0x5e: {  	[tilespmem:s10], [sflag:$0x1] =	stream.indirect_vreg.gather [hbm4b:s4+s2], $0x80, v3, vm0, $0xb8;
	[tilespmem:$0x18300] =	vst v63  }
0x5f: {  	s11 =	simm.s32 $0x9B00  }
0x60: {  	[tilespmem:s11], [sflag:$0x1] =	stream.indirect_vreg.gather [hbm4b:s5+s2], $0x80, v3, vm0, $0xb8;
	[tilespmem:$0x18300] =	vst v63  }
0x61: {  	v3 =	vld [tilespmem:$0x50];
	_ =	sdelay $0x4  }
0x62: {  	v21 =	vshll.u32 v3, $0x2  }
0x63: {  	v3 =	vand.u32 $0x7, v3;
	v4 =	vand.u32 $0xFFFFFFE0, v21  }
0x64: {  	v3 =	vor.u32 v3, v4  }
0x65: {  	v4 =	vperm.xlane v3, v0;
	_ =	sdelay $0x1  }
0x66: {  	v4 =	vadd.s32 v1, v4;
	_ =	sdelay $0x1  }
0x67: {  	v3 =	vperm.xlane v3, v2;
	_ =	sdelay $0x1  }
0x68: {  	s30 =	simm.s32 $0xA300;
	v3 =	vadd.s32 v1, v3  }
0x69: {  	[tilespmem:s30], [sflag:$0x1] =	stream.indirect_vreg.gather [hbm4b:s4+s2], $0x80, v4, vm0, $0xb8;
	[tilespmem:$0x18300] =	vst v63  }
0x6a: {  	s11 =	simm.s32 $0xAB00  }
0x6b: {  	[tilespmem:s11], [sflag:$0x1] =	stream.indirect_vreg.gather [hbm4b:s5+s2], $0x80, v4, vm0, $0xb8;
	[tilespmem:$0x18300] =	vst v63  }
0x6c: {  	s11 =	simm.s32 $0xB300  }
0x6d: {  	[tilespmem:s11], [sflag:$0x1] =	stream.indirect_vreg.gather [hbm4b:s4+s2], $0x80, v3, vm0, $0xb8;
	[tilespmem:$0x18300] =	vst v63  }
0x6e: {  	s11 =	simm.s32 $0xBB00  }
0x6f: {  	[tilespmem:s11], [sflag:$0x1] =	stream.indirect_vreg.gather [hbm4b:s5+s2], $0x80, v3, vm0, $0xb8;
	[tilespmem:$0x18300] =	vst v63  }
0x70: {  	v3 =	vld [tilespmem:$0x60];
	_ =	sdelay $0x4  }
0x71: {  	v22 =	vshll.u32 v3, $0x2  }
0x72: {  	v3 =	vand.u32 $0x7, v3;
	v4 =	vand.u32 $0xFFFFFFE0, v22  }
0x73: {  	v3 =	vor.u32 v3, v4  }
0x74: {  	v4 =	vperm.xlane v3, v0;
	_ =	sdelay $0x1  }
0x75: {  	v4 =	vadd.s32 v1, v4;
	_ =	sdelay $0x1  }
0x76: {  	v3 =	vperm.xlane v3, v2;
	_ =	sdelay $0x1  }
0x77: {  	v3 =	vadd.s32 v1, v3  }
0x78: {  	[tilespmem:s0], [sflag:$0x2] =	stream.indirect_vreg.gather [hbm4b:s4+s2], $0x80, v4, vm0, $0xb8;
	[tilespmem:$0x18300] =	vst v63  }
0x79: {  	s9 =	simm.s32 $0xCB00  }
0x7a: {  	[tilespmem:s9], [sflag:$0x2] =	stream.indirect_vreg.gather [hbm4b:s5+s2], $0x80, v4, vm0, $0xb8;
	[tilespmem:$0x18300] =	vst v63  }
0x7b: {  	s9 =	simm.s32 $0xD300  }
0x7c: {  	[tilespmem:s9], [sflag:$0x2] =	stream.indirect_vreg.gather [hbm4b:s4+s2], $0x80, v3, vm0, $0xb8;
	[tilespmem:$0x18300] =	vst v63  }
0x7d: {  	s9 =	simm.s32 $0xDB00  }
0x7e: {  	[tilespmem:s9], [sflag:$0x2] =	stream.indirect_vreg.gather [hbm4b:s5+s2], $0x80, v3, vm0, $0xb8;
	[tilespmem:$0x18300] =	vst v63  }
0x7f: {  	v3 =	vld [tilespmem:$0x70];
	_ =	sdelay $0x4  }
0x80: {  	v23 =	vshll.u32 v3, $0x2  }
0x81: {  	v3 =	vand.u32 $0x7, v3;
	v4 =	vand.u32 $0xFFFFFFE0, v23  }
0x82: {  	v3 =	vor.u32 v3, v4  }
0x83: {  	v4 =	vperm.xlane v3, v0;
	_ =	sdelay $0x1  }
0x84: {  	v4 =	vadd.s32 v1, v4;
	_ =	sdelay $0x1  }
0x85: {  	v3 =	vperm.xlane v3, v2;
	_ =	sdelay $0x1  }
0x86: {  	s9 =	simm.s32 $0xE300;
	v3 =	vadd.s32 v1, v3  }
0x87: {  	[tilespmem:s9], [sflag:$0x2] =	stream.indirect_vreg.gather [hbm4b:s4+s2], $0x80, v4, vm0, $0xb8;
	[tilespmem:$0x18300] =	vst v63  }
0x88: {  	s9 =	simm.s32 $0xEB00  }
0x89: {  	[tilespmem:s9], [sflag:$0x2] =	stream.indirect_vreg.gather [hbm4b:s5+s2], $0x80, v4, vm0, $0xb8;
	[tilespmem:$0x18300] =	vst v63  }
0x8a: {  	s9 =	simm.s32 $0xF300  }
0x8b: {  	[tilespmem:s9], [sflag:$0x2] =	stream.indirect_vreg.gather [hbm4b:s4+s2], $0x80, v3, vm0, $0xb8;
	[tilespmem:$0x18300] =	vst v63  }
0x8c: {  	s9 =	simm.s32 $0xFB00  }
0x8d: {  	[tilespmem:s9], [sflag:$0x2] =	stream.indirect_vreg.gather [hbm4b:s5+s2], $0x80, v3, vm0, $0xb8;
	[tilespmem:$0x18300] =	vst v63  }
0x8e: {  	v3 =	vld [tilespmem:$0x80];
	_ =	sdelay $0x4  }
0x8f: {  	v24 =	vshll.u32 v3, $0x2  }
0x90: {  	v3 =	vand.u32 $0x7, v3;
	v4 =	vand.u32 $0xFFFFFFE0, v24  }
0x91: {  	v3 =	vor.u32 v3, v4  }
0x92: {  	v4 =	vperm.xlane v3, v0;
	_ =	sdelay $0x1  }
0x93: {  	v4 =	vadd.s32 v1, v4;
	_ =	sdelay $0x1  }
0x94: {  	v3 =	vperm.xlane v3, v2;
	_ =	sdelay $0x1  }
0x95: {  	s9 =	simm.s32 $0x10300;
	v3 =	vadd.s32 v1, v3  }
0x96: {  	[tilespmem:s9], [sflag:$0x2] =	stream.indirect_vreg.gather [hbm4b:s4+s2], $0x80, v4, vm0, $0xb8;
	[tilespmem:$0x18300] =	vst v63  }
0x97: {  	s9 =	simm.s32 $0x10B00  }
0x98: {  	[tilespmem:s9], [sflag:$0x2] =	stream.indirect_vreg.gather [hbm4b:s5+s2], $0x80, v4, vm0, $0xb8;
	[tilespmem:$0x18300] =	vst v63  }
0x99: {  	s9 =	simm.s32 $0x11300  }
0x9a: {  	[tilespmem:s9], [sflag:$0x2] =	stream.indirect_vreg.gather [hbm4b:s4+s2], $0x80, v3, vm0, $0xb8;
	[tilespmem:$0x18300] =	vst v63  }
0x9b: {  	s9 =	simm.s32 $0x11B00  }
0x9c: {  	[tilespmem:s9], [sflag:$0x2] =	stream.indirect_vreg.gather [hbm4b:s5+s2], $0x80, v3, vm0, $0xb8;
	[tilespmem:$0x18300] =	vst v63  }
0x9d: {  	v3 =	vld [tilespmem:$0x90];
	_ =	sdelay $0x4  }
0x9e: {  	v25 =	vshll.u32 v3, $0x2  }
0x9f: {  	v3 =	vand.u32 $0x7, v3;
	v4 =	vand.u32 $0xFFFFFFE0, v25  }
0xa0: {  	v3 =	vor.u32 v3, v4  }
0xa1: {  	v4 =	vperm.xlane v3, v0;
	_ =	sdelay $0x1  }
0xa2: {  	v4 =	vadd.s32 v1, v4;
	_ =	sdelay $0x1  }
0xa3: {  	v3 =	vperm.xlane v3, v2;
	_ =	sdelay $0x1  }
0xa4: {  	s9 =	simm.s32 $0x12300;
	v3 =	vadd.s32 v1, v3  }
0xa5: {  	[tilespmem:s9], [sflag:$0x2] =	stream.indirect_vreg.gather [hbm4b:s4+s2], $0x80, v4, vm0, $0xb8;
	[tilespmem:$0x18300] =	vst v63  }
0xa6: {  	s9 =	simm.s32 $0x12B00  }
0xa7: {  	[tilespmem:s9], [sflag:$0x2] =	stream.indirect_vreg.gather [hbm4b:s5+s2], $0x80, v4, vm0, $0xb8;
	[tilespmem:$0x18300] =	vst v63  }
0xa8: {  	s9 =	simm.s32 $0x13300  }
0xa9: {  	[tilespmem:s9], [sflag:$0x2] =	stream.indirect_vreg.gather [hbm4b:s4+s2], $0x80, v3, vm0, $0xb8;
	[tilespmem:$0x18300] =	vst v63  }
0xaa: {  	s9 =	simm.s32 $0x13B00  }
0xab: {  	[tilespmem:s9], [sflag:$0x2] =	stream.indirect_vreg.gather [hbm4b:s5+s2], $0x80, v3, vm0, $0xb8;
	[tilespmem:$0x18300] =	vst v63  }
0xac: {  	v3 =	vld [tilespmem:$0xA0];
	_ =	sdelay $0x4  }
0xad: {  	v26 =	vshll.u32 v3, $0x2  }
0xae: {  	v3 =	vand.u32 $0x7, v3;
	v4 =	vand.u32 $0xFFFFFFE0, v26  }
0xaf: {  	v3 =	vor.u32 v3, v4  }
0xb0: {  	v4 =	vperm.xlane v3, v0;
	_ =	sdelay $0x1  }
0xb1: {  	v4 =	vadd.s32 v1, v4;
	_ =	sdelay $0x1  }
0xb2: {  	v3 =	vperm.xlane v3, v2;
	_ =	sdelay $0x1  }
0xb3: {  	s9 =	simm.s32 $0x14300;
	v3 =	vadd.s32 v1, v3  }
0xb4: {  	[tilespmem:s9], [sflag:$0x2] =	stream.indirect_vreg.gather [hbm4b:s4+s2], $0x80, v4, vm0, $0xb8;
	[tilespmem:$0x18300] =	vst v63  }
0xb5: {  	s9 =	simm.s32 $0x14B00  }
0xb6: {  	[tilespmem:s9], [sflag:$0x2] =	stream.indirect_vreg.gather [hbm4b:s5+s2], $0x80, v4, vm0, $0xb8;
	[tilespmem:$0x18300] =	vst v63  }
0xb7: {  	s9 =	simm.s32 $0x15300  }
0xb8: {  	[tilespmem:s9], [sflag:$0x2] =	stream.indirect_vreg.gather [hbm4b:s4+s2], $0x80, v3, vm0, $0xb8;
	[tilespmem:$0x18300] =	vst v63  }
0xb9: {  	s9 =	simm.s32 $0x15B00  }
0xba: {  	[tilespmem:s9], [sflag:$0x2] =	stream.indirect_vreg.gather [hbm4b:s5+s2], $0x80, v3, vm0, $0xb8;
	[tilespmem:$0x18300] =	vst v63  }
0xbb: {  	v3 =	vld [tilespmem:$0xB0];
	_ =	sdelay $0x4  }
0xbc: {  	v27 =	vshll.u32 v3, $0x2  }
0xbd: {  	v3 =	vand.u32 $0x7, v3;
	v4 =	vand.u32 $0xFFFFFFE0, v27  }
0xbe: {  	v3 =	vor.u32 v3, v4  }
0xbf: {  	v4 =	vperm.xlane v3, v0;
	_ =	sdelay $0x1  }
0xc0: {  	v4 =	vadd.s32 v1, v4;
	_ =	sdelay $0x1  }
0xc1: {  	v3 =	vperm.xlane v3, v2;
	_ =	sdelay $0x1  }
0xc2: {  	s9 =	simm.s32 $0x16300;
	v3 =	vadd.s32 v1, v3  }
0xc3: {  	[tilespmem:s9], [sflag:$0x2] =	stream.indirect_vreg.gather [hbm4b:s4+s2], $0x80, v4, vm0, $0xb8;
	[tilespmem:$0x18300] =	vst v63  }
0xc4: {  	s9 =	simm.s32 $0x16B00  }
0xc5: {  	[tilespmem:s9], [sflag:$0x2] =	stream.indirect_vreg.gather [hbm4b:s5+s2], $0x80, v4, vm0, $0xb8;
	[tilespmem:$0x18300] =	vst v63  }
0xc6: {  	s9 =	simm.s32 $0x17300  }
0xc7: {  	[tilespmem:s9], [sflag:$0x2] =	stream.indirect_vreg.gather [hbm4b:s4+s2], $0x80, v3, vm0, $0xb8;
	[tilespmem:$0x18300] =	vst v63  }
0xc8: {  	s9 =	simm.s32 $0x17B00  }
0xc9: {  	[tilespmem:s9], [sflag:$0x2] =	stream.indirect_vreg.gather [hbm4b:s5+s2], $0x80, v3, vm0, $0xb8;
	[tilespmem:$0x18300] =	vst v63  }
0xca: {  	_ =	swait.ge [sflag:s31], $0xC000  }
0xcb: {  	[sflag:s31] =	ssyncset.done $0x0  }
0xcc: {  	s9 =	rddreg [dreg:$0xa];
	[sflag:s31] =	ssyncadd.s32 $0xFFFF4000  }
0xcd: {  	[hbm4b:s9+s2] =	stream.linear.scatter [tilespmem:s8], [sflag:$0x3], $0xC000, $0x38;
	[tilespmem:$0x18300] =	vst v63  }
0xce: {  	_ =	swait.ge [sflag:s1], $0xC000  }
0xcf: {  	[sflag:s1] =	ssyncset.done $0x0  }
0xd0: {  	[sflag:s1] =	ssyncadd.s32 $0xFFFF4000  }
0xd1: {  	v3 =	vld [tilespmem:$0xC0];
	_ =	sdelay $0x4  }
0xd2: {  	v28 =	vshll.u32 v3, $0x2  }
0xd3: {  	v3 =	vand.u32 $0x7, v3;
	v4 =	vand.u32 $0xFFFFFFE0, v28  }
0xd4: {  	v3 =	vor.u32 v3, v4  }
0xd5: {  	v4 =	vperm.xlane v3, v0;
	_ =	sdelay $0x1  }
0xd6: {  	v4 =	vadd.s32 v1, v4;
	_ =	sdelay $0x1  }
0xd7: {  	v3 =	vperm.xlane v3, v2;
	_ =	sdelay $0x1  }
0xd8: {  	v3 =	vadd.s32 v1, v3  }
0xd9: {  	[tilespmem:s8], [sflag:$0x1] =	stream.indirect_vreg.gather [hbm4b:s4+s2], $0x80, v4, vm0, $0xb8;
	[tilespmem:$0x18300] =	vst v63  }
0xda: {  	s9 =	simm.s32 $0xB00  }
0xdb: {  	[tilespmem:s9], [sflag:$0x1] =	stream.indirect_vreg.gather [hbm4b:s5+s2], $0x80, v4, vm0, $0xb8;
	[tilespmem:$0x18300] =	vst v63  }
0xdc: {  	s16 =	simm.s32 $0x1300  }
0xdd: {  	[tilespmem:s16], [sflag:$0x1] =	stream.indirect_vreg.gather [hbm4b:s4+s2], $0x80, v3, vm0, $0xb8;
	[tilespmem:$0x18300] =	vst v63  }
0xde: {  	s12 =	simm.s32 $0x1B00  }
0xdf: {  	[tilespmem:s12], [sflag:$0x1] =	stream.indirect_vreg.gather [hbm4b:s5+s2], $0x80, v3, vm0, $0xb8;
	[tilespmem:$0x18300] =	vst v63  }
0xe0: {  	v3 =	vld [tilespmem:$0xD0];
	_ =	sdelay $0x4  }
0xe1: {  	v29 =	vshll.u32 v3, $0x2  }
0xe2: {  	v3 =	vand.u32 $0x7, v3;
	v4 =	vand.u32 $0xFFFFFFE0, v29  }
0xe3: {  	v3 =	vor.u32 v3, v4  }
0xe4: {  	v4 =	vperm.xlane v3, v0;
	_ =	sdelay $0x1  }
0xe5: {  	v4 =	vadd.s32 v1, v4;
	_ =	sdelay $0x1  }
0xe6: {  	v3 =	vperm.xlane v3, v2;
	_ =	sdelay $0x1  }
0xe7: {  	s17 =	simm.s32 $0x2300;
	v3 =	vadd.s32 v1, v3  }
0xe8: {  	[tilespmem:s17], [sflag:$0x1] =	stream.indirect_vreg.gather [hbm4b:s4+s2], $0x80, v4, vm0, $0xb8;
	[tilespmem:$0x18300] =	vst v63  }
0xe9: {  	s18 =	simm.s32 $0x2B00  }
0xea: {  	[tilespmem:s18], [sflag:$0x1] =	stream.indirect_vreg.gather [hbm4b:s5+s2], $0x80, v4, vm0, $0xb8;
	[tilespmem:$0x18300] =	vst v63  }
0xeb: {  	s19 =	simm.s32 $0x3300  }
0xec: {  	[tilespmem:s19], [sflag:$0x1] =	stream.indirect_vreg.gather [hbm4b:s4+s2], $0x80, v3, vm0, $0xb8;
	[tilespmem:$0x18300] =	vst v63  }
0xed: {  	s13 =	simm.s32 $0x3B00  }
0xee: {  	[tilespmem:s13], [sflag:$0x1] =	stream.indirect_vreg.gather [hbm4b:s5+s2], $0x80, v3, vm0, $0xb8;
	[tilespmem:$0x18300] =	vst v63  }
0xef: {  	v3 =	vld [tilespmem:$0xE0];
	_ =	sdelay $0x4  }
0xf0: {  	v30 =	vshll.u32 v3, $0x2  }
0xf1: {  	v3 =	vand.u32 $0x7, v3;
	v4 =	vand.u32 $0xFFFFFFE0, v30  }
0xf2: {  	v3 =	vor.u32 v3, v4  }
0xf3: {  	v4 =	vperm.xlane v3, v0;
	_ =	sdelay $0x1  }
0xf4: {  	v4 =	vadd.s32 v1, v4;
	_ =	sdelay $0x1  }
0xf5: {  	v3 =	vperm.xlane v3, v2;
	_ =	sdelay $0x1  }
0xf6: {  	s20 =	simm.s32 $0x4300;
	v3 =	vadd.s32 v1, v3  }
0xf7: {  	[tilespmem:s20], [sflag:$0x1] =	stream.indirect_vreg.gather [hbm4b:s4+s2], $0x80, v4, vm0, $0xb8;
	[tilespmem:$0x18300] =	vst v63  }
0xf8: {  	s21 =	simm.s32 $0x4B00  }
0xf9: {  	[tilespmem:s21], [sflag:$0x1] =	stream.indirect_vreg.gather [hbm4b:s5+s2], $0x80, v4, vm0, $0xb8;
	[tilespmem:$0x18300] =	vst v63  }
0xfa: {  	s22 =	simm.s32 $0x5300  }
0xfb: {  	[tilespmem:s22], [sflag:$0x1] =	stream.indirect_vreg.gather [hbm4b:s4+s2], $0x80, v3, vm0, $0xb8;
	[tilespmem:$0x18300] =	vst v63  }
0xfc: {  	s14 =	simm.s32 $0x5B00  }
0xfd: {  	[tilespmem:s14], [sflag:$0x1] =	stream.indirect_vreg.gather [hbm4b:s5+s2], $0x80, v3, vm0, $0xb8;
	[tilespmem:$0x18300] =	vst v63  }
0xfe: {  	v3 =	vld [tilespmem:$0xF0];
	_ =	sdelay $0x4  }
0xff: {  	v31 =	vshll.u32 v3, $0x2  }
0x100: {  	v3 =	vand.u32 $0x7, v3;
	v4 =	vand.u32 $0xFFFFFFE0, v31  }
0x101: {  	v3 =	vor.u32 v3, v4  }
0x102: {  	v4 =	vperm.xlane v3, v0;
	_ =	sdelay $0x1  }
0x103: {  	v4 =	vadd.s32 v1, v4;
	_ =	sdelay $0x1  }
0x104: {  	v3 =	vperm.xlane v3, v2;
	_ =	sdelay $0x1  }
0x105: {  	s23 =	simm.s32 $0x6300;
	v3 =	vadd.s32 v1, v3  }
0x106: {  	[tilespmem:s23], [sflag:$0x1] =	stream.indirect_vreg.gather [hbm4b:s4+s2], $0x80, v4, vm0, $0xb8;
	[tilespmem:$0x18300] =	vst v63  }
0x107: {  	s24 =	simm.s32 $0x6B00  }
0x108: {  	[tilespmem:s24], [sflag:$0x1] =	stream.indirect_vreg.gather [hbm4b:s5+s2], $0x80, v4, vm0, $0xb8;
	[tilespmem:$0x18300] =	vst v63  }
0x109: {  	s25 =	simm.s32 $0x7300  }
0x10a: {  	[tilespmem:s25], [sflag:$0x1] =	stream.indirect_vreg.gather [hbm4b:s4+s2], $0x80, v3, vm0, $0xb8;
	[tilespmem:$0x18300] =	vst v63  }
0x10b: {  	s15 =	simm.s32 $0x7B00  }
0x10c: {  	[tilespmem:s15], [sflag:$0x1] =	stream.indirect_vreg.gather [hbm4b:s5+s2], $0x80, v3, vm0, $0xb8;
	[tilespmem:$0x18300] =	vst v63  }
0x10d: {  	v3 =	vld [tilespmem:$0x100];
	_ =	sdelay $0x4  }
0x10e: {  	v32 =	vshll.u32 v3, $0x2  }
0x10f: {  	v3 =	vand.u32 $0x7, v3;
	v4 =	vand.u32 $0xFFFFFFE0, v32  }
0x110: {  	v3 =	vor.u32 v3, v4  }
0x111: {  	v4 =	vperm.xlane v3, v0;
	_ =	sdelay $0x1  }
0x112: {  	v4 =	vadd.s32 v1, v4;
	_ =	sdelay $0x1  }
0x113: {  	v3 =	vperm.xlane v3, v2;
	_ =	sdelay $0x1  }
0x114: {  	s26 =	simm.s32 $0x8300;
	v3 =	vadd.s32 v1, v3  }
0x115: {  	[tilespmem:s26], [sflag:$0x1] =	stream.indirect_vreg.gather [hbm4b:s4+s2], $0x80, v4, vm0, $0xb8;
	[tilespmem:$0x18300] =	vst v63  }
0x116: {  	s28 =	simm.s32 $0x8B00  }
0x117: {  	[tilespmem:s28], [sflag:$0x1] =	stream.indirect_vreg.gather [hbm4b:s5+s2], $0x80, v4, vm0, $0xb8;
	[tilespmem:$0x18300] =	vst v63  }
0x118: {  	s29 =	simm.s32 $0x9300  }
0x119: {  	[tilespmem:s29], [sflag:$0x1] =	stream.indirect_vreg.gather [hbm4b:s4+s2], $0x80, v3, vm0, $0xb8;
	[tilespmem:$0x18300] =	vst v63  }
0x11a: {  	s10 =	simm.s32 $0x9B00  }
0x11b: {  	[tilespmem:s10], [sflag:$0x1] =	stream.indirect_vreg.gather [hbm4b:s5+s2], $0x80, v3, vm0, $0xb8;
	[tilespmem:$0x18300] =	vst v63  }
0x11c: {  	v3 =	vld [tilespmem:$0x110];
	_ =	sdelay $0x4  }
0x11d: {  	v33 =	vshll.u32 v3, $0x2  }
0x11e: {  	v3 =	vand.u32 $0x7, v3;
	v4 =	vand.u32 $0xFFFFFFE0, v33  }
0x11f: {  	v3 =	vor.u32 v3, v4  }
0x120: {  	v4 =	vperm.xlane v3, v0;
	_ =	sdelay $0x1  }
0x121: {  	v4 =	vadd.s32 v1, v4;
	_ =	sdelay $0x1  }
0x122: {  	v3 =	vperm.xlane v3, v2;
	_ =	sdelay $0x1  }
0x123: {  	s30 =	simm.s32 $0xA300;
	v3 =	vadd.s32 v1, v3  }
0x124: {  	[tilespmem:s30], [sflag:$0x1] =	stream.indirect_vreg.gather [hbm4b:s4+s2], $0x80, v4, vm0, $0xb8;
	[tilespmem:$0x18300] =	vst v63  }
0x125: {  	s21 =	simm.s32 $0xAB00  }
0x126: {  	[tilespmem:s21], [sflag:$0x1] =	stream.indirect_vreg.gather [hbm4b:s5+s2], $0x80, v4, vm0, $0xb8;
	[tilespmem:$0x18300] =	vst v63  }
0x127: {  	s22 =	simm.s32 $0xB300  }
0x128: {  	[tilespmem:s22], [sflag:$0x1] =	stream.indirect_vreg.gather [hbm4b:s4+s2], $0x80, v3, vm0, $0xb8;
	[tilespmem:$0x18300] =	vst v63  }
0x129: {  	s11 =	simm.s32 $0xBB00  }
0x12a: {  	[tilespmem:s11], [sflag:$0x1] =	stream.indirect_vreg.gather [hbm4b:s5+s2], $0x80, v3, vm0, $0xb8;
	[tilespmem:$0x18300] =	vst v63  }
0x12b: {  	_ =	swait.ge [sflag:s3], $0xC000  }
0x12c: {  	[sflag:s3] =	ssyncset.done $0x0  }
0x12d: {  	s23 =	rddreg [dreg:$0x3];
	[sflag:s3] =	ssyncadd.s32 $0xFFFF4000  }
0x12e: {  	[hbm4b:s23+s2] =	stream.linear.scatter [tilespmem:s0], [sflag:$0x4], $0xC000, $0x38;
	[tilespmem:$0x18300] =	vst v63  }
0x12f: {  	_ =	swait.ge [sflag:s7], $0xC000  }
0x130: {  	[sflag:s7] =	ssyncset.done $0x0  }
0x131: {  	[sflag:s7] =	ssyncadd.s32 $0xFFFF4000  }
0x132: {  	v3 =	vld [tilespmem:$0x120];
	_ =	sdelay $0x4  }
0x133: {  	v34 =	vshll.u32 v3, $0x2  }
0x134: {  	v3 =	vand.u32 $0x7, v3;
	v4 =	vand.u32 $0xFFFFFFE0, v34  }
0x135: {  	v3 =	vor.u32 v3, v4  }
0x136: {  	v4 =	vperm.xlane v3, v0;
	_ =	sdelay $0x1  }
0x137: {  	v4 =	vadd.s32 v1, v4;
	_ =	sdelay $0x1  }
0x138: {  	v3 =	vperm.xlane v3, v2;
	_ =	sdelay $0x1  }
0x139: {  	v3 =	vadd.s32 v1, v3  }
0x13a: {  	[tilespmem:s0], [sflag:$0x2] =	stream.indirect_vreg.gather [hbm4b:s4+s2], $0x80, v4, vm0, $0xb8;
	[tilespmem:$0x18300] =	vst v63  }
0x13b: {  	s24 =	simm.s32 $0xCB00  }
0x13c: {  	[tilespmem:s24], [sflag:$0x2] =	stream.indirect_vreg.gather [hbm4b:s5+s2], $0x80, v4, vm0, $0xb8;
	[tilespmem:$0x18300] =	vst v63  }
0x13d: {  	s25 =	simm.s32 $0xD300  }
0x13e: {  	[tilespmem:s25], [sflag:$0x2] =	stream.indirect_vreg.gather [hbm4b:s4+s2], $0x80, v3, vm0, $0xb8;
	[tilespmem:$0x18300] =	vst v63  }
0x13f: {  	s26 =	simm.s32 $0xDB00  }
0x140: {  	[tilespmem:s26], [sflag:$0x2] =	stream.indirect_vreg.gather [hbm4b:s5+s2], $0x80, v3, vm0, $0xb8;
	[tilespmem:$0x18300] =	vst v63  }
0x141: {  	v3 =	vld [tilespmem:$0x130];
	_ =	sdelay $0x4  }
0x142: {  	v35 =	vshll.u32 v3, $0x2  }
0x143: {  	v3 =	vand.u32 $0x7, v3;
	v4 =	vand.u32 $0xFFFFFFE0, v35  }
0x144: {  	v3 =	vor.u32 v3, v4  }
0x145: {  	v4 =	vperm.xlane v3, v0;
	_ =	sdelay $0x1  }
0x146: {  	v4 =	vadd.s32 v1, v4;
	_ =	sdelay $0x1  }
0x147: {  	v3 =	vperm.xlane v3, v2;
	_ =	sdelay $0x1  }
0x148: {  	s28 =	simm.s32 $0xE300;
	v3 =	vadd.s32 v1, v3  }
0x149: {  	[tilespmem:s28], [sflag:$0x2] =	stream.indirect_vreg.gather [hbm4b:s4+s2], $0x80, v4, vm0, $0xb8;
	[tilespmem:$0x18300] =	vst v63  }
0x14a: {  	s29 =	simm.s32 $0xEB00  }
0x14b: {  	[tilespmem:s29], [sflag:$0x2] =	stream.indirect_vreg.gather [hbm4b:s5+s2], $0x80, v4, vm0, $0xb8;
	[tilespmem:$0x18300] =	vst v63  }
0x14c: {  	s30 =	simm.s32 $0xF300  }
0x14d: {  	[tilespmem:s30], [sflag:$0x2] =	stream.indirect_vreg.gather [hbm4b:s4+s2], $0x80, v3, vm0, $0xb8;
	[tilespmem:$0x18300] =	vst v63  }
0x14e: {  	s12 =	simm.s32 $0xFB00  }
0x14f: {  	[tilespmem:s12], [sflag:$0x2] =	stream.indirect_vreg.gather [hbm4b:s5+s2], $0x80, v3, vm0, $0xb8;
	[tilespmem:$0x18300] =	vst v63  }
0x150: {  	v3 =	vld [tilespmem:$0x140];
	_ =	sdelay $0x4  }
0x151: {  	v36 =	vshll.u32 v3, $0x2  }
0x152: {  	v3 =	vand.u32 $0x7, v3;
	v4 =	vand.u32 $0xFFFFFFE0, v36  }
0x153: {  	v3 =	vor.u32 v3, v4  }
0x154: {  	v4 =	vperm.xlane v3, v0;
	_ =	sdelay $0x1  }
0x155: {  	v4 =	vadd.s32 v1, v4;
	_ =	sdelay $0x1  }
0x156: {  	v3 =	vperm.xlane v3, v2;
	_ =	sdelay $0x1  }
0x157: {  	s13 =	simm.s32 $0x10300;
	v3 =	vadd.s32 v1, v3  }
0x158: {  	[tilespmem:s13], [sflag:$0x2] =	stream.indirect_vreg.gather [hbm4b:s4+s2], $0x80, v4, vm0, $0xb8;
	[tilespmem:$0x18300] =	vst v63  }
0x159: {  	s15 =	simm.s32 $0x10B00  }
0x15a: {  	[tilespmem:s15], [sflag:$0x2] =	stream.indirect_vreg.gather [hbm4b:s5+s2], $0x80, v4, vm0, $0xb8;
	[tilespmem:$0x18300] =	vst v63  }
0x15b: {  	s16 =	simm.s32 $0x11300  }
0x15c: {  	[tilespmem:s16], [sflag:$0x2] =	stream.indirect_vreg.gather [hbm4b:s4+s2], $0x80, v3, vm0, $0xb8;
	[tilespmem:$0x18300] =	vst v63  }
0x15d: {  	s17 =	simm.s32 $0x11B00  }
0x15e: {  	[tilespmem:s17], [sflag:$0x2] =	stream.indirect_vreg.gather [hbm4b:s5+s2], $0x80, v3, vm0, $0xb8;
	[tilespmem:$0x18300] =	vst v63  }
0x15f: {  	v3 =	vld [tilespmem:$0x150];
	_ =	sdelay $0x4  }
0x160: {  	v37 =	vshll.u32 v3, $0x2  }
0x161: {  	v3 =	vand.u32 $0x7, v3;
	v4 =	vand.u32 $0xFFFFFFE0, v37  }
0x162: {  	v3 =	vor.u32 v3, v4  }
0x163: {  	v4 =	vperm.xlane v3, v0;
	_ =	sdelay $0x1  }
0x164: {  	v4 =	vadd.s32 v1, v4;
	_ =	sdelay $0x1  }
0x165: {  	v3 =	vperm.xlane v3, v2;
	_ =	sdelay $0x1  }
0x166: {  	s18 =	simm.s32 $0x12300;
	v3 =	vadd.s32 v1, v3  }
0x167: {  	[tilespmem:s18], [sflag:$0x2] =	stream.indirect_vreg.gather [hbm4b:s4+s2], $0x80, v4, vm0, $0xb8;
	[tilespmem:$0x18300] =	vst v63  }
0x168: {  	s19 =	simm.s32 $0x12B00  }
0x169: {  	[tilespmem:s19], [sflag:$0x2] =	stream.indirect_vreg.gather [hbm4b:s5+s2], $0x80, v4, vm0, $0xb8;
	[tilespmem:$0x18300] =	vst v63  }
0x16a: {  	s20 =	simm.s32 $0x13300  }
0x16b: {  	[tilespmem:s20], [sflag:$0x2] =	stream.indirect_vreg.gather [hbm4b:s4+s2], $0x80, v3, vm0, $0xb8;
	[tilespmem:$0x18300] =	vst v63  }
0x16c: {  	s21 =	simm.s32 $0x13B00  }
0x16d: {  	[tilespmem:s21], [sflag:$0x2] =	stream.indirect_vreg.gather [hbm4b:s5+s2], $0x80, v3, vm0, $0xb8;
	[tilespmem:$0x18300] =	vst v63  }
0x16e: {  	v3 =	vld [tilespmem:$0x160];
	_ =	sdelay $0x4  }
0x16f: {  	v38 =	vshll.u32 v3, $0x2  }
0x170: {  	v3 =	vand.u32 $0x7, v3;
	v4 =	vand.u32 $0xFFFFFFE0, v38  }
0x171: {  	v3 =	vor.u32 v3, v4  }
0x172: {  	v4 =	vperm.xlane v3, v0;
	_ =	sdelay $0x1  }
0x173: {  	v4 =	vadd.s32 v1, v4;
	_ =	sdelay $0x1  }
0x174: {  	v3 =	vperm.xlane v3, v2;
	_ =	sdelay $0x1  }
0x175: {  	s22 =	simm.s32 $0x14300;
	v3 =	vadd.s32 v1, v3  }
0x176: {  	[tilespmem:s22], [sflag:$0x2] =	stream.indirect_vreg.gather [hbm4b:s4+s2], $0x80, v4, vm0, $0xb8;
	[tilespmem:$0x18300] =	vst v63  }
0x177: {  	s23 =	simm.s32 $0x14B00  }
0x178: {  	[tilespmem:s23], [sflag:$0x2] =	stream.indirect_vreg.gather [hbm4b:s5+s2], $0x80, v4, vm0, $0xb8;
	[tilespmem:$0x18300] =	vst v63  }
0x179: {  	s24 =	simm.s32 $0x15300  }
0x17a: {  	[tilespmem:s24], [sflag:$0x2] =	stream.indirect_vreg.gather [hbm4b:s4+s2], $0x80, v3, vm0, $0xb8;
	[tilespmem:$0x18300] =	vst v63  }
0x17b: {  	s25 =	simm.s32 $0x15B00  }
0x17c: {  	[tilespmem:s25], [sflag:$0x2] =	stream.indirect_vreg.gather [hbm4b:s5+s2], $0x80, v3, vm0, $0xb8;
	[tilespmem:$0x18300] =	vst v63  }
0x17d: {  	v3 =	vld [tilespmem:$0x170];
	_ =	sdelay $0x4  }
0x17e: {  	v39 =	vshll.u32 v3, $0x2  }
0x17f: {  	v3 =	vand.u32 $0x7, v3;
	v4 =	vand.u32 $0xFFFFFFE0, v39  }
0x180: {  	v3 =	vor.u32 v3, v4  }
0x181: {  	v4 =	vperm.xlane v3, v0;
	_ =	sdelay $0x1  }
0x182: {  	v4 =	vadd.s32 v1, v4;
	_ =	sdelay $0x1  }
0x183: {  	v3 =	vperm.xlane v3, v2;
	_ =	sdelay $0x1  }
0x184: {  	s23 =	simm.s32 $0x16300;
	v3 =	vadd.s32 v1, v3  }
0x185: {  	[tilespmem:s23], [sflag:$0x2] =	stream.indirect_vreg.gather [hbm4b:s4+s2], $0x80, v4, vm0, $0xb8;
	[tilespmem:$0x18300] =	vst v63  }
0x186: {  	s24 =	simm.s32 $0x16B00  }
0x187: {  	[tilespmem:s24], [sflag:$0x2] =	stream.indirect_vreg.gather [hbm4b:s5+s2], $0x80, v4, vm0, $0xb8;
	[tilespmem:$0x18300] =	vst v63  }
0x188: {  	s25 =	simm.s32 $0x17300  }
0x189: {  	[tilespmem:s25], [sflag:$0x2] =	stream.indirect_vreg.gather [hbm4b:s4+s2], $0x80, v3, vm0, $0xb8;
	[tilespmem:$0x18300] =	vst v63  }
0x18a: {  	s9 =	simm.s32 $0x17B00  }
0x18b: {  	[tilespmem:s9], [sflag:$0x2] =	stream.indirect_vreg.gather [hbm4b:s5+s2], $0x80, v3, vm0, $0xb8;
	[tilespmem:$0x18300] =	vst v63  }
0x18c: {  	_ =	swait.ge [sflag:s31], $0xC000  }
0x18d: {  	[sflag:s31] =	ssyncset.done $0x0  }
0x18e: {  	s9 =	rddreg [dreg:$0x4];
	[sflag:s31] =	ssyncadd.s32 $0xFFFF4000  }
0x18f: {  	[hbm4b:s9+s2] =	stream.linear.scatter [tilespmem:s8], [sflag:$0x3], $0xC000, $0x38;
	[tilespmem:$0x18300] =	vst v63  }
0x190: {  	_ =	swait.ge [sflag:s1], $0xC000  }
0x191: {  	[sflag:s1] =	ssyncset.done $0x0  }
0x192: {  	[sflag:s1] =	ssyncadd.s32 $0xFFFF4000  }
0x193: {  	v3 =	vld [tilespmem:$0x180];
	_ =	sdelay $0x4  }
0x194: {  	v40 =	vshll.u32 v3, $0x2  }
0x195: {  	v3 =	vand.u32 $0x7, v3;
	v4 =	vand.u32 $0xFFFFFFE0, v40  }
0x196: {  	v3 =	vor.u32 v3, v4  }
0x197: {  	v4 =	vperm.xlane v3, v0;
	_ =	sdelay $0x1  }
0x198: {  	v4 =	vadd.s32 v1, v4;
	_ =	sdelay $0x1  }
0x199: {  	v3 =	vperm.xlane v3, v2;
	_ =	sdelay $0x1  }
0x19a: {  	v3 =	vadd.s32 v1, v3  }
0x19b: {  	[tilespmem:s8], [sflag:$0x1] =	stream.indirect_vreg.gather [hbm4b:s4+s2], $0x80, v4, vm0, $0xb8;
	[tilespmem:$0x18300] =	vst v63  }
0x19c: {  	s9 =	simm.s32 $0xB00  }
0x19d: {  	[tilespmem:s9], [sflag:$0x1] =	stream.indirect_vreg.gather [hbm4b:s5+s2], $0x80, v4, vm0, $0xb8;
	[tilespmem:$0x18300] =	vst v63  }
0x19e: {  	s9 =	simm.s32 $0x1300  }
0x19f: {  	[tilespmem:s9], [sflag:$0x1] =	stream.indirect_vreg.gather [hbm4b:s4+s2], $0x80, v3, vm0, $0xb8;
	[tilespmem:$0x18300] =	vst v63  }
0x1a0: {  	s9 =	simm.s32 $0x1B00  }
0x1a1: {  	[tilespmem:s9], [sflag:$0x1] =	stream.indirect_vreg.gather [hbm4b:s5+s2], $0x80, v3, vm0, $0xb8;
	[tilespmem:$0x18300] =	vst v63  }
0x1a2: {  	v3 =	vld [tilespmem:$0x190];
	_ =	sdelay $0x4  }
0x1a3: {  	v41 =	vshll.u32 v3, $0x2  }
0x1a4: {  	v3 =	vand.u32 $0x7, v3;
	v4 =	vand.u32 $0xFFFFFFE0, v41  }
0x1a5: {  	v3 =	vor.u32 v3, v4  }
0x1a6: {  	v4 =	vperm.xlane v3, v0;
	_ =	sdelay $0x1  }
0x1a7: {  	v4 =	vadd.s32 v1, v4;
	_ =	sdelay $0x1  }
0x1a8: {  	v3 =	vperm.xlane v3, v2;
	_ =	sdelay $0x1  }
0x1a9: {  	s9 =	simm.s32 $0x2300;
	v3 =	vadd.s32 v1, v3  }
0x1aa: {  	[tilespmem:s9], [sflag:$0x1] =	stream.indirect_vreg.gather [hbm4b:s4+s2], $0x80, v4, vm0, $0xb8;
	[tilespmem:$0x18300] =	vst v63  }
0x1ab: {  	s9 =	simm.s32 $0x2B00  }
0x1ac: {  	[tilespmem:s9], [sflag:$0x1] =	stream.indirect_vreg.gather [hbm4b:s5+s2], $0x80, v4, vm0, $0xb8;
	[tilespmem:$0x18300] =	vst v63  }
0x1ad: {  	s9 =	simm.s32 $0x3300  }
0x1ae: {  	[tilespmem:s9], [sflag:$0x1] =	stream.indirect_vreg.gather [hbm4b:s4+s2], $0x80, v3, vm0, $0xb8;
	[tilespmem:$0x18300] =	vst v63  }
0x1af: {  	s9 =	simm.s32 $0x3B00  }
0x1b0: {  	[tilespmem:s9], [sflag:$0x1] =	stream.indirect_vreg.gather [hbm4b:s5+s2], $0x80, v3, vm0, $0xb8;
	[tilespmem:$0x18300] =	vst v63  }
0x1b1: {  	v3 =	vld [tilespmem:$0x1A0];
	_ =	sdelay $0x4  }
0x1b2: {  	v42 =	vshll.u32 v3, $0x2  }
0x1b3: {  	v3 =	vand.u32 $0x7, v3;
	v4 =	vand.u32 $0xFFFFFFE0, v42  }
0x1b4: {  	v3 =	vor.u32 v3, v4  }
0x1b5: {  	v4 =	vperm.xlane v3, v0;
	_ =	sdelay $0x1  }
0x1b6: {  	v4 =	vadd.s32 v1, v4;
	_ =	sdelay $0x1  }
0x1b7: {  	v3 =	vperm.xlane v3, v2;
	_ =	sdelay $0x1  }
0x1b8: {  	s9 =	simm.s32 $0x4300;
	v3 =	vadd.s32 v1, v3  }
0x1b9: {  	[tilespmem:s9], [sflag:$0x1] =	stream.indirect_vreg.gather [hbm4b:s4+s2], $0x80, v4, vm0, $0xb8;
	[tilespmem:$0x18300] =	vst v63  }
0x1ba: {  	s9 =	simm.s32 $0x4B00  }
0x1bb: {  	[tilespmem:s9], [sflag:$0x1] =	stream.indirect_vreg.gather [hbm4b:s5+s2], $0x80, v4, vm0, $0xb8;
	[tilespmem:$0x18300] =	vst v63  }
0x1bc: {  	s9 =	simm.s32 $0x5300  }
0x1bd: {  	[tilespmem:s9], [sflag:$0x1] =	stream.indirect_vreg.gather [hbm4b:s4+s2], $0x80, v3, vm0, $0xb8;
	[tilespmem:$0x18300] =	vst v63  }
0x1be: {  	s9 =	simm.s32 $0x5B00  }
0x1bf: {  	[tilespmem:s9], [sflag:$0x1] =	stream.indirect_vreg.gather [hbm4b:s5+s2], $0x80, v3, vm0, $0xb8;
	[tilespmem:$0x18300] =	vst v63  }
0x1c0: {  	v3 =	vld [tilespmem:$0x1B0];
	_ =	sdelay $0x4  }
0x1c1: {  	v43 =	vshll.u32 v3, $0x2  }
0x1c2: {  	v3 =	vand.u32 $0x7, v3;
	v4 =	vand.u32 $0xFFFFFFE0, v43  }
0x1c3: {  	v3 =	vor.u32 v3, v4  }
0x1c4: {  	v4 =	vperm.xlane v3, v0;
	_ =	sdelay $0x1  }
0x1c5: {  	v4 =	vadd.s32 v1, v4;
	_ =	sdelay $0x1  }
0x1c6: {  	v3 =	vperm.xlane v3, v2;
	_ =	sdelay $0x1  }
0x1c7: {  	s9 =	simm.s32 $0x6300;
	v3 =	vadd.s32 v1, v3  }
0x1c8: {  	[tilespmem:s9], [sflag:$0x1] =	stream.indirect_vreg.gather [hbm4b:s4+s2], $0x80, v4, vm0, $0xb8;
	[tilespmem:$0x18300] =	vst v63  }
0x1c9: {  	s9 =	simm.s32 $0x6B00  }
0x1ca: {  	[tilespmem:s9], [sflag:$0x1] =	stream.indirect_vreg.gather [hbm4b:s5+s2], $0x80, v4, vm0, $0xb8;
	[tilespmem:$0x18300] =	vst v63  }
0x1cb: {  	s9 =	simm.s32 $0x7300  }
0x1cc: {  	[tilespmem:s9], [sflag:$0x1] =	stream.indirect_vreg.gather [hbm4b:s4+s2], $0x80, v3, vm0, $0xb8;
	[tilespmem:$0x18300] =	vst v63  }
0x1cd: {  	s9 =	simm.s32 $0x7B00  }
0x1ce: {  	[tilespmem:s9], [sflag:$0x1] =	stream.indirect_vreg.gather [hbm4b:s5+s2], $0x80, v3, vm0, $0xb8;
	[tilespmem:$0x18300] =	vst v63  }
0x1cf: {  	v3 =	vld [tilespmem:$0x1C0];
	_ =	sdelay $0x4  }
0x1d0: {  	v44 =	vshll.u32 v3, $0x2  }
0x1d1: {  	v3 =	vand.u32 $0x7, v3;
	v4 =	vand.u32 $0xFFFFFFE0, v44  }
0x1d2: {  	v3 =	vor.u32 v3, v4  }
0x1d3: {  	v4 =	vperm.xlane v3, v0;
	_ =	sdelay $0x1  }
0x1d4: {  	v4 =	vadd.s32 v1, v4;
	_ =	sdelay $0x1  }
0x1d5: {  	v3 =	vperm.xlane v3, v2;
	_ =	sdelay $0x1  }
0x1d6: {  	s9 =	simm.s32 $0x8300;
	v3 =	vadd.s32 v1, v3  }
0x1d7: {  	[tilespmem:s9], [sflag:$0x1] =	stream.indirect_vreg.gather [hbm4b:s4+s2], $0x80, v4, vm0, $0xb8;
	[tilespmem:$0x18300] =	vst v63  }
0x1d8: {  	s9 =	simm.s32 $0x8B00  }
0x1d9: {  	[tilespmem:s9], [sflag:$0x1] =	stream.indirect_vreg.gather [hbm4b:s5+s2], $0x80, v4, vm0, $0xb8;
	[tilespmem:$0x18300] =	vst v63  }
0x1da: {  	s9 =	simm.s32 $0x9300  }
0x1db: {  	[tilespmem:s9], [sflag:$0x1] =	stream.indirect_vreg.gather [hbm4b:s4+s2], $0x80, v3, vm0, $0xb8;
	[tilespmem:$0x18300] =	vst v63  }
0x1dc: {  	s9 =	simm.s32 $0x9B00  }
0x1dd: {  	[tilespmem:s9], [sflag:$0x1] =	stream.indirect_vreg.gather [hbm4b:s5+s2], $0x80, v3, vm0, $0xb8;
	[tilespmem:$0x18300] =	vst v63  }
0x1de: {  	v3 =	vld [tilespmem:$0x1D0];
	_ =	sdelay $0x4  }
0x1df: {  	v45 =	vshll.u32 v3, $0x2  }
0x1e0: {  	v3 =	vand.u32 $0x7, v3;
	v4 =	vand.u32 $0xFFFFFFE0, v45  }
0x1e1: {  	v3 =	vor.u32 v3, v4  }
0x1e2: {  	v4 =	vperm.xlane v3, v0;
	_ =	sdelay $0x1  }
0x1e3: {  	v4 =	vadd.s32 v1, v4;
	_ =	sdelay $0x1  }
0x1e4: {  	v3 =	vperm.xlane v3, v2;
	_ =	sdelay $0x1  }
0x1e5: {  	s9 =	simm.s32 $0xA300;
	v3 =	vadd.s32 v1, v3  }
0x1e6: {  	[tilespmem:s9], [sflag:$0x1] =	stream.indirect_vreg.gather [hbm4b:s4+s2], $0x80, v4, vm0, $0xb8;
	[tilespmem:$0x18300] =	vst v63  }
0x1e7: {  	s9 =	simm.s32 $0xAB00  }
0x1e8: {  	[tilespmem:s9], [sflag:$0x1] =	stream.indirect_vreg.gather [hbm4b:s5+s2], $0x80, v4, vm0, $0xb8;
	[tilespmem:$0x18300] =	vst v63  }
0x1e9: {  	s9 =	simm.s32 $0xB300  }
0x1ea: {  	[tilespmem:s9], [sflag:$0x1] =	stream.indirect_vreg.gather [hbm4b:s4+s2], $0x80, v3, vm0, $0xb8;
	[tilespmem:$0x18300] =	vst v63  }
0x1eb: {  	s9 =	simm.s32 $0xBB00  }
0x1ec: {  	[tilespmem:s9], [sflag:$0x1] =	stream.indirect_vreg.gather [hbm4b:s5+s2], $0x80, v3, vm0, $0xb8;
	[tilespmem:$0x18300] =	vst v63  }
0x1ed: {  	_ =	swait.ge [sflag:s3], $0xC000  }
0x1ee: {  	[sflag:s3] =	ssyncset.done $0x0  }
0x1ef: {  	s9 =	rddreg [dreg:$0x5];
	[sflag:s3] =	ssyncadd.s32 $0xFFFF4000  }
0x1f0: {  	[hbm4b:s9+s2] =	stream.linear.scatter [tilespmem:s0], [sflag:$0x4], $0xC000, $0x38;
	[tilespmem:$0x18300] =	vst v63  }
0x1f1: {  	_ =	swait.ge [sflag:s7], $0xC000  }
0x1f2: {  	[sflag:s7] =	ssyncset.done $0x0  }
0x1f3: {  	[sflag:s7] =	ssyncadd.s32 $0xFFFF4000  }
0x1f4: {  	v3 =	vld [tilespmem:$0x1E0];
	_ =	sdelay $0x4  }
0x1f5: {  	v46 =	vshll.u32 v3, $0x2  }
0x1f6: {  	v3 =	vand.u32 $0x7, v3;
	v4 =	vand.u32 $0xFFFFFFE0, v46  }
0x1f7: {  	v3 =	vor.u32 v3, v4  }
0x1f8: {  	v4 =	vperm.xlane v3, v0;
	_ =	sdelay $0x1  }
0x1f9: {  	v4 =	vadd.s32 v1, v4;
	_ =	sdelay $0x1  }
0x1fa: {  	v3 =	vperm.xlane v3, v2;
	_ =	sdelay $0x1  }
0x1fb: {  	v3 =	vadd.s32 v1, v3  }
0x1fc: {  	[tilespmem:s0], [sflag:$0x2] =	stream.indirect_vreg.gather [hbm4b:s4+s2], $0x80, v4, vm0, $0xb8;
	[tilespmem:$0x18300] =	vst v63  }
0x1fd: {  	s10 =	simm.s32 $0xCB00  }
0x1fe: {  	[tilespmem:s10], [sflag:$0x2] =	stream.indirect_vreg.gather [hbm4b:s5+s2], $0x80, v4, vm0, $0xb8;
	[tilespmem:$0x18300] =	vst v63  }
0x1ff: {  	s11 =	simm.s32 $0xD300  }
0x200: {  	[tilespmem:s11], [sflag:$0x2] =	stream.indirect_vreg.gather [hbm4b:s4+s2], $0x80, v3, vm0, $0xb8;
	[tilespmem:$0x18300] =	vst v63  }
0x201: {  	s14 =	simm.s32 $0xDB00  }
0x202: {  	[tilespmem:s14], [sflag:$0x2] =	stream.indirect_vreg.gather [hbm4b:s5+s2], $0x80, v3, vm0, $0xb8;
	[tilespmem:$0x18300] =	vst v63  }
0x203: {  	v3 =	vld [tilespmem:$0x1F0];
	_ =	sdelay $0x4  }
0x204: {  	v47 =	vshll.u32 v3, $0x2  }
0x205: {  	v3 =	vand.u32 $0x7, v3;
	v4 =	vand.u32 $0xFFFFFFE0, v47  }
0x206: {  	v3 =	vor.u32 v3, v4  }
0x207: {  	v4 =	vperm.xlane v3, v0;
	_ =	sdelay $0x1  }
0x208: {  	v4 =	vadd.s32 v1, v4;
	_ =	sdelay $0x1  }
0x209: {  	v3 =	vperm.xlane v3, v2;
	_ =	sdelay $0x1  }
0x20a: {  	s28 =	simm.s32 $0xE300;
	v3 =	vadd.s32 v1, v3  }
0x20b: {  	[tilespmem:s28], [sflag:$0x2] =	stream.indirect_vreg.gather [hbm4b:s4+s2], $0x80, v4, vm0, $0xb8;
	[tilespmem:$0x18300] =	vst v63  }
0x20c: {  	s29 =	simm.s32 $0xEB00  }
0x20d: {  	[tilespmem:s29], [sflag:$0x2] =	stream.indirect_vreg.gather [hbm4b:s5+s2], $0x80, v4, vm0, $0xb8;
	[tilespmem:$0x18300] =	vst v63  }
0x20e: {  	s30 =	simm.s32 $0xF300  }
0x20f: {  	[tilespmem:s30], [sflag:$0x2] =	stream.indirect_vreg.gather [hbm4b:s4+s2], $0x80, v3, vm0, $0xb8;
	[tilespmem:$0x18300] =	vst v63  }
0x210: {  	s9 =	simm.s32 $0xFB00  }
0x211: {  	[tilespmem:s9], [sflag:$0x2] =	stream.indirect_vreg.gather [hbm4b:s5+s2], $0x80, v3, vm0, $0xb8;
	[tilespmem:$0x18300] =	vst v63  }
0x212: {  	v3 =	vld [tilespmem:$0x200];
	_ =	sdelay $0x4  }
0x213: {  	v48 =	vshll.u32 v3, $0x2  }
0x214: {  	v3 =	vand.u32 $0x7, v3;
	v4 =	vand.u32 $0xFFFFFFE0, v48  }
0x215: {  	v3 =	vor.u32 v3, v4  }
0x216: {  	v4 =	vperm.xlane v3, v0;
	_ =	sdelay $0x1  }
0x217: {  	v4 =	vadd.s32 v1, v4;
	_ =	sdelay $0x1  }
0x218: {  	v3 =	vperm.xlane v3, v2;
	_ =	sdelay $0x1  }
0x219: {  	s12 =	simm.s32 $0x10300;
	v3 =	vadd.s32 v1, v3  }
0x21a: {  	[tilespmem:s12], [sflag:$0x2] =	stream.indirect_vreg.gather [hbm4b:s4+s2], $0x80, v4, vm0, $0xb8;
	[tilespmem:$0x18300] =	vst v63  }
0x21b: {  	s13 =	simm.s32 $0x10B00  }
0x21c: {  	[tilespmem:s13], [sflag:$0x2] =	stream.indirect_vreg.gather [hbm4b:s5+s2], $0x80, v4, vm0, $0xb8;
	[tilespmem:$0x18300] =	vst v63  }
0x21d: {  	s16 =	simm.s32 $0x11300  }
0x21e: {  	[tilespmem:s16], [sflag:$0x2] =	stream.indirect_vreg.gather [hbm4b:s4+s2], $0x80, v3, vm0, $0xb8;
	[tilespmem:$0x18300] =	vst v63  }
0x21f: {  	s15 =	simm.s32 $0x11B00  }
0x220: {  	[tilespmem:s15], [sflag:$0x2] =	stream.indirect_vreg.gather [hbm4b:s5+s2], $0x80, v3, vm0, $0xb8;
	[tilespmem:$0x18300] =	vst v63  }
0x221: {  	v3 =	vld [tilespmem:$0x210];
	_ =	sdelay $0x4  }
0x222: {  	v49 =	vshll.u32 v3, $0x2  }
0x223: {  	v3 =	vand.u32 $0x7, v3;
	v4 =	vand.u32 $0xFFFFFFE0, v49  }
0x224: {  	v3 =	vor.u32 v3, v4  }
0x225: {  	v4 =	vperm.xlane v3, v0;
	_ =	sdelay $0x1  }
0x226: {  	v4 =	vadd.s32 v1, v4;
	_ =	sdelay $0x1  }
0x227: {  	v3 =	vperm.xlane v3, v2;
	_ =	sdelay $0x1  }
0x228: {  	s17 =	simm.s32 $0x12300;
	v3 =	vadd.s32 v1, v3  }
0x229: {  	[tilespmem:s17], [sflag:$0x2] =	stream.indirect_vreg.gather [hbm4b:s4+s2], $0x80, v4, vm0, $0xb8;
	[tilespmem:$0x18300] =	vst v63  }
0x22a: {  	s18 =	simm.s32 $0x12B00  }
0x22b: {  	[tilespmem:s18], [sflag:$0x2] =	stream.indirect_vreg.gather [hbm4b:s5+s2], $0x80, v4, vm0, $0xb8;
	[tilespmem:$0x18300] =	vst v63  }
0x22c: {  	s19 =	simm.s32 $0x13300  }
0x22d: {  	[tilespmem:s19], [sflag:$0x2] =	stream.indirect_vreg.gather [hbm4b:s4+s2], $0x80, v3, vm0, $0xb8;
	[tilespmem:$0x18300] =	vst v63  }
0x22e: {  	s26 =	simm.s32 $0x13B00  }
0x22f: {  	[tilespmem:s26], [sflag:$0x2] =	stream.indirect_vreg.gather [hbm4b:s5+s2], $0x80, v3, vm0, $0xb8;
	[tilespmem:$0x18300] =	vst v63  }
0x230: {  	v3 =	vld [tilespmem:$0x220];
	_ =	sdelay $0x4  }
0x231: {  	v50 =	vshll.u32 v3, $0x2  }
0x232: {  	v3 =	vand.u32 $0x7, v3;
	v4 =	vand.u32 $0xFFFFFFE0, v50  }
0x233: {  	v3 =	vor.u32 v3, v4  }
0x234: {  	v4 =	vperm.xlane v3, v0;
	_ =	sdelay $0x1  }
0x235: {  	v4 =	vadd.s32 v1, v4;
	_ =	sdelay $0x1  }
0x236: {  	v3 =	vperm.xlane v3, v2;
	_ =	sdelay $0x1  }
0x237: {  	s20 =	simm.s32 $0x14300;
	v3 =	vadd.s32 v1, v3  }
0x238: {  	[tilespmem:s20], [sflag:$0x2] =	stream.indirect_vreg.gather [hbm4b:s4+s2], $0x80, v4, vm0, $0xb8;
	[tilespmem:$0x18300] =	vst v63  }
0x239: {  	s21 =	simm.s32 $0x14B00  }
0x23a: {  	[tilespmem:s21], [sflag:$0x2] =	stream.indirect_vreg.gather [hbm4b:s5+s2], $0x80, v4, vm0, $0xb8;
	[tilespmem:$0x18300] =	vst v63  }
0x23b: {  	s22 =	simm.s32 $0x15300  }
0x23c: {  	[tilespmem:s22], [sflag:$0x2] =	stream.indirect_vreg.gather [hbm4b:s4+s2], $0x80, v3, vm0, $0xb8;
	[tilespmem:$0x18300] =	vst v63  }
0x23d: {  	s9 =	simm.s32 $0x15B00  }
0x23e: {  	[tilespmem:s9], [sflag:$0x2] =	stream.indirect_vreg.gather [hbm4b:s5+s2], $0x80, v3, vm0, $0xb8;
	[tilespmem:$0x18300] =	vst v63  }
0x23f: {  	v3 =	vld [tilespmem:$0x230];
	_ =	sdelay $0x4  }
0x240: {  	v51 =	vshll.u32 v3, $0x2  }
0x241: {  	v3 =	vand.u32 $0x7, v3;
	v4 =	vand.u32 $0xFFFFFFE0, v51  }
0x242: {  	v3 =	vor.u32 v3, v4  }
0x243: {  	v4 =	vperm.xlane v3, v0;
	_ =	sdelay $0x1  }
0x244: {  	v4 =	vadd.s32 v1, v4;
	_ =	sdelay $0x1  }
0x245: {  	v3 =	vperm.xlane v3, v2;
	_ =	sdelay $0x1  }
0x246: {  	s23 =	simm.s32 $0x16300;
	v3 =	vadd.s32 v1, v3  }
0x247: {  	[tilespmem:s23], [sflag:$0x2] =	stream.indirect_vreg.gather [hbm4b:s4+s2], $0x80, v4, vm0, $0xb8;
	[tilespmem:$0x18300] =	vst v63  }
0x248: {  	s24 =	simm.s32 $0x16B00  }
0x249: {  	[tilespmem:s24], [sflag:$0x2] =	stream.indirect_vreg.gather [hbm4b:s5+s2], $0x80, v4, vm0, $0xb8;
	[tilespmem:$0x18300] =	vst v63  }
0x24a: {  	s25 =	simm.s32 $0x17300  }
0x24b: {  	[tilespmem:s25], [sflag:$0x2] =	stream.indirect_vreg.gather [hbm4b:s4+s2], $0x80, v3, vm0, $0xb8;
	[tilespmem:$0x18300] =	vst v63  }
0x24c: {  	s9 =	simm.s32 $0x17B00  }
0x24d: {  	[tilespmem:s9], [sflag:$0x2] =	stream.indirect_vreg.gather [hbm4b:s5+s2], $0x80, v3, vm0, $0xb8;
	[tilespmem:$0x18300] =	vst v63  }
0x24e: {  	_ =	swait.ge [sflag:s31], $0xC000  }
0x24f: {  	[sflag:s31] =	ssyncset.done $0x0  }
0x250: {  	s9 =	rddreg [dreg:$0x6];
	[sflag:s31] =	ssyncadd.s32 $0xFFFF4000  }
0x251: {  	[hbm4b:s9+s2] =	stream.linear.scatter [tilespmem:s8], [sflag:$0x3], $0xC000, $0x38;
	[tilespmem:$0x18300] =	vst v63  }
0x252: {  	_ =	swait.ge [sflag:s1], $0xC000  }
0x253: {  	[sflag:s1] =	ssyncset.done $0x0  }
0x254: {  	[sflag:s1] =	ssyncadd.s32 $0xFFFF4000  }
0x255: {  	v3 =	vld [tilespmem:$0x240];
	_ =	sdelay $0x4  }
0x256: {  	v52 =	vshll.u32 v3, $0x2  }
0x257: {  	v3 =	vand.u32 $0x7, v3;
	v4 =	vand.u32 $0xFFFFFFE0, v52  }
0x258: {  	v3 =	vor.u32 v3, v4  }
0x259: {  	v4 =	vperm.xlane v3, v0;
	_ =	sdelay $0x1  }
0x25a: {  	v4 =	vadd.s32 v1, v4;
	_ =	sdelay $0x1  }
0x25b: {  	v3 =	vperm.xlane v3, v2;
	_ =	sdelay $0x1  }
0x25c: {  	v3 =	vadd.s32 v1, v3  }
0x25d: {  	[tilespmem:s8], [sflag:$0x1] =	stream.indirect_vreg.gather [hbm4b:s4+s2], $0x80, v4, vm0, $0xb8;
	[tilespmem:$0x18300] =	vst v63  }
0x25e: {  	s9 =	simm.s32 $0xB00  }
0x25f: {  	[tilespmem:s9], [sflag:$0x1] =	stream.indirect_vreg.gather [hbm4b:s5+s2], $0x80, v4, vm0, $0xb8;
	[tilespmem:$0x18300] =	vst v63  }
0x260: {  	s9 =	simm.s32 $0x1300  }
0x261: {  	[tilespmem:s9], [sflag:$0x1] =	stream.indirect_vreg.gather [hbm4b:s4+s2], $0x80, v3, vm0, $0xb8;
	[tilespmem:$0x18300] =	vst v63  }
0x262: {  	s9 =	simm.s32 $0x1B00  }
0x263: {  	[tilespmem:s9], [sflag:$0x1] =	stream.indirect_vreg.gather [hbm4b:s5+s2], $0x80, v3, vm0, $0xb8;
	[tilespmem:$0x18300] =	vst v63  }
0x264: {  	v3 =	vld [tilespmem:$0x250];
	_ =	sdelay $0x4  }
0x265: {  	v53 =	vshll.u32 v3, $0x2  }
0x266: {  	v3 =	vand.u32 $0x7, v3;
	v4 =	vand.u32 $0xFFFFFFE0, v53  }
0x267: {  	v3 =	vor.u32 v3, v4  }
0x268: {  	v4 =	vperm.xlane v3, v0;
	_ =	sdelay $0x1  }
0x269: {  	v4 =	vadd.s32 v1, v4;
	_ =	sdelay $0x1  }
0x26a: {  	v3 =	vperm.xlane v3, v2;
	_ =	sdelay $0x1  }
0x26b: {  	s9 =	simm.s32 $0x2300;
	v3 =	vadd.s32 v1, v3  }
0x26c: {  	[tilespmem:s9], [sflag:$0x1] =	stream.indirect_vreg.gather [hbm4b:s4+s2], $0x80, v4, vm0, $0xb8;
	[tilespmem:$0x18300] =	vst v63  }
0x26d: {  	s9 =	simm.s32 $0x2B00  }
0x26e: {  	[tilespmem:s9], [sflag:$0x1] =	stream.indirect_vreg.gather [hbm4b:s5+s2], $0x80, v4, vm0, $0xb8;
	[tilespmem:$0x18300] =	vst v63  }
0x26f: {  	s9 =	simm.s32 $0x3300  }
0x270: {  	[tilespmem:s9], [sflag:$0x1] =	stream.indirect_vreg.gather [hbm4b:s4+s2], $0x80, v3, vm0, $0xb8;
	[tilespmem:$0x18300] =	vst v63  }
0x271: {  	s9 =	simm.s32 $0x3B00  }
0x272: {  	[tilespmem:s9], [sflag:$0x1] =	stream.indirect_vreg.gather [hbm4b:s5+s2], $0x80, v3, vm0, $0xb8;
	[tilespmem:$0x18300] =	vst v63  }
0x273: {  	v3 =	vld [tilespmem:$0x260];
	_ =	sdelay $0x4  }
0x274: {  	v54 =	vshll.u32 v3, $0x2  }
0x275: {  	v3 =	vand.u32 $0x7, v3;
	v4 =	vand.u32 $0xFFFFFFE0, v54  }
0x276: {  	v3 =	vor.u32 v3, v4  }
0x277: {  	v4 =	vperm.xlane v3, v0;
	_ =	sdelay $0x1  }
0x278: {  	v4 =	vadd.s32 v1, v4;
	_ =	sdelay $0x1  }
0x279: {  	v3 =	vperm.xlane v3, v2;
	_ =	sdelay $0x1  }
0x27a: {  	s9 =	simm.s32 $0x4300;
	v3 =	vadd.s32 v1, v3  }
0x27b: {  	[tilespmem:s9], [sflag:$0x1] =	stream.indirect_vreg.gather [hbm4b:s4+s2], $0x80, v4, vm0, $0xb8;
	[tilespmem:$0x18300] =	vst v63  }
0x27c: {  	s9 =	simm.s32 $0x4B00  }
0x27d: {  	[tilespmem:s9], [sflag:$0x1] =	stream.indirect_vreg.gather [hbm4b:s5+s2], $0x80, v4, vm0, $0xb8;
	[tilespmem:$0x18300] =	vst v63  }
0x27e: {  	s9 =	simm.s32 $0x5300  }
0x27f: {  	[tilespmem:s9], [sflag:$0x1] =	stream.indirect_vreg.gather [hbm4b:s4+s2], $0x80, v3, vm0, $0xb8;
	[tilespmem:$0x18300] =	vst v63  }
0x280: {  	s9 =	simm.s32 $0x5B00  }
0x281: {  	[tilespmem:s9], [sflag:$0x1] =	stream.indirect_vreg.gather [hbm4b:s5+s2], $0x80, v3, vm0, $0xb8;
	[tilespmem:$0x18300] =	vst v63  }
0x282: {  	v3 =	vld [tilespmem:$0x270];
	_ =	sdelay $0x4  }
0x283: {  	v55 =	vshll.u32 v3, $0x2  }
0x284: {  	v3 =	vand.u32 $0x7, v3;
	v4 =	vand.u32 $0xFFFFFFE0, v55  }
0x285: {  	v3 =	vor.u32 v3, v4  }
0x286: {  	v4 =	vperm.xlane v3, v0;
	_ =	sdelay $0x1  }
0x287: {  	v4 =	vadd.s32 v1, v4;
	_ =	sdelay $0x1  }
0x288: {  	v3 =	vperm.xlane v3, v2;
	_ =	sdelay $0x1  }
0x289: {  	s9 =	simm.s32 $0x6300;
	v3 =	vadd.s32 v1, v3  }
0x28a: {  	[tilespmem:s9], [sflag:$0x1] =	stream.indirect_vreg.gather [hbm4b:s4+s2], $0x80, v4, vm0, $0xb8;
	[tilespmem:$0x18300] =	vst v63  }
0x28b: {  	s9 =	simm.s32 $0x6B00  }
0x28c: {  	[tilespmem:s9], [sflag:$0x1] =	stream.indirect_vreg.gather [hbm4b:s5+s2], $0x80, v4, vm0, $0xb8;
	[tilespmem:$0x18300] =	vst v63  }
0x28d: {  	s9 =	simm.s32 $0x7300  }
0x28e: {  	[tilespmem:s9], [sflag:$0x1] =	stream.indirect_vreg.gather [hbm4b:s4+s2], $0x80, v3, vm0, $0xb8;
	[tilespmem:$0x18300] =	vst v63  }
0x28f: {  	s9 =	simm.s32 $0x7B00  }
0x290: {  	[tilespmem:s9], [sflag:$0x1] =	stream.indirect_vreg.gather [hbm4b:s5+s2], $0x80, v3, vm0, $0xb8;
	[tilespmem:$0x18300] =	vst v63  }
0x291: {  	v3 =	vld [tilespmem:$0x280];
	_ =	sdelay $0x4  }
0x292: {  	v56 =	vshll.u32 v3, $0x2  }
0x293: {  	v3 =	vand.u32 $0x7, v3;
	v4 =	vand.u32 $0xFFFFFFE0, v56  }
0x294: {  	v3 =	vor.u32 v3, v4  }
0x295: {  	v4 =	vperm.xlane v3, v0;
	_ =	sdelay $0x1  }
0x296: {  	v4 =	vadd.s32 v1, v4;
	_ =	sdelay $0x1  }
0x297: {  	v3 =	vperm.xlane v3, v2;
	_ =	sdelay $0x1  }
0x298: {  	s9 =	simm.s32 $0x8300;
	v3 =	vadd.s32 v1, v3  }
0x299: {  	[tilespmem:s9], [sflag:$0x1] =	stream.indirect_vreg.gather [hbm4b:s4+s2], $0x80, v4, vm0, $0xb8;
	[tilespmem:$0x18300] =	vst v63  }
0x29a: {  	s9 =	simm.s32 $0x8B00  }
0x29b: {  	[tilespmem:s9], [sflag:$0x1] =	stream.indirect_vreg.gather [hbm4b:s5+s2], $0x80, v4, vm0, $0xb8;
	[tilespmem:$0x18300] =	vst v63  }
0x29c: {  	s9 =	simm.s32 $0x9300  }
0x29d: {  	[tilespmem:s9], [sflag:$0x1] =	stream.indirect_vreg.gather [hbm4b:s4+s2], $0x80, v3, vm0, $0xb8;
	[tilespmem:$0x18300] =	vst v63  }
0x29e: {  	s9 =	simm.s32 $0x9B00  }
0x29f: {  	[tilespmem:s9], [sflag:$0x1] =	stream.indirect_vreg.gather [hbm4b:s5+s2], $0x80, v3, vm0, $0xb8;
	[tilespmem:$0x18300] =	vst v63  }
0x2a0: {  	v3 =	vld [tilespmem:$0x290];
	_ =	sdelay $0x4  }
0x2a1: {  	v57 =	vshll.u32 v3, $0x2  }
0x2a2: {  	v3 =	vand.u32 $0x7, v3;
	v4 =	vand.u32 $0xFFFFFFE0, v57  }
0x2a3: {  	v3 =	vor.u32 v3, v4  }
0x2a4: {  	v4 =	vperm.xlane v3, v0;
	_ =	sdelay $0x1  }
0x2a5: {  	v4 =	vadd.s32 v1, v4;
	_ =	sdelay $0x1  }
0x2a6: {  	v3 =	vperm.xlane v3, v2;
	_ =	sdelay $0x1  }
0x2a7: {  	s9 =	simm.s32 $0xA300;
	v3 =	vadd.s32 v1, v3  }
0x2a8: {  	[tilespmem:s9], [sflag:$0x1] =	stream.indirect_vreg.gather [hbm4b:s4+s2], $0x80, v4, vm0, $0xb8;
	[tilespmem:$0x18300] =	vst v63  }
0x2a9: {  	s9 =	simm.s32 $0xAB00  }
0x2aa: {  	[tilespmem:s9], [sflag:$0x1] =	stream.indirect_vreg.gather [hbm4b:s5+s2], $0x80, v4, vm0, $0xb8;
	[tilespmem:$0x18300] =	vst v63  }
0x2ab: {  	s9 =	simm.s32 $0xB300  }
0x2ac: {  	[tilespmem:s9], [sflag:$0x1] =	stream.indirect_vreg.gather [hbm4b:s4+s2], $0x80, v3, vm0, $0xb8;
	[tilespmem:$0x18300] =	vst v63  }
0x2ad: {  	s9 =	simm.s32 $0xBB00  }
0x2ae: {  	[tilespmem:s9], [sflag:$0x1] =	stream.indirect_vreg.gather [hbm4b:s5+s2], $0x80, v3, vm0, $0xb8;
	[tilespmem:$0x18300] =	vst v63  }
0x2af: {  	_ =	swait.ge [sflag:s3], $0xC000  }
0x2b0: {  	[sflag:s3] =	ssyncset.done $0x0  }
0x2b1: {  	s9 =	rddreg [dreg:$0x7];
	[sflag:s3] =	ssyncadd.s32 $0xFFFF4000  }
0x2b2: {  	[hbm4b:s9+s2] =	stream.linear.scatter [tilespmem:s0], [sflag:$0x4], $0xC000, $0x38;
	[tilespmem:$0x18300] =	vst v63  }
0x2b3: {  	_ =	swait.ge [sflag:s7], $0xC000  }
0x2b4: {  	[sflag:s7] =	ssyncset.done $0x0  }
0x2b5: {  	[sflag:s7] =	ssyncadd.s32 $0xFFFF4000  }
0x2b6: {  	v3 =	vld [tilespmem:$0x2A0];
	_ =	sdelay $0x4  }
0x2b7: {  	v58 =	vshll.u32 v3, $0x2  }
0x2b8: {  	v3 =	vand.u32 $0x7, v3;
	v4 =	vand.u32 $0xFFFFFFE0, v58  }
0x2b9: {  	v3 =	vor.u32 v3, v4  }
0x2ba: {  	v4 =	vperm.xlane v3, v0;
	_ =	sdelay $0x1  }
0x2bb: {  	v4 =	vadd.s32 v1, v4;
	_ =	sdelay $0x1  }
0x2bc: {  	v3 =	vperm.xlane v3, v2;
	_ =	sdelay $0x1  }
0x2bd: {  	v3 =	vadd.s32 v1, v3  }
0x2be: {  	[tilespmem:s0], [sflag:$0x2] =	stream.indirect_vreg.gather [hbm4b:s4+s2], $0x80, v4, vm0, $0xb8;
	[tilespmem:$0x18300] =	vst v63  }
0x2bf: {  	s10 =	simm.s32 $0xCB00  }
0x2c0: {  	[tilespmem:s10], [sflag:$0x2] =	stream.indirect_vreg.gather [hbm4b:s5+s2], $0x80, v4, vm0, $0xb8;
	[tilespmem:$0x18300] =	vst v63  }
0x2c1: {  	s11 =	simm.s32 $0xD300  }
0x2c2: {  	[tilespmem:s11], [sflag:$0x2] =	stream.indirect_vreg.gather [hbm4b:s4+s2], $0x80, v3, vm0, $0xb8;
	[tilespmem:$0x18300] =	vst v63  }
0x2c3: {  	s14 =	simm.s32 $0xDB00  }
0x2c4: {  	[tilespmem:s14], [sflag:$0x2] =	stream.indirect_vreg.gather [hbm4b:s5+s2], $0x80, v3, vm0, $0xb8;
	[tilespmem:$0x18300] =	vst v63  }
0x2c5: {  	v3 =	vld [tilespmem:$0x2B0];
	_ =	sdelay $0x4  }
0x2c6: {  	v59 =	vshll.u32 v3, $0x2  }
0x2c7: {  	v3 =	vand.u32 $0x7, v3;
	v4 =	vand.u32 $0xFFFFFFE0, v59  }
0x2c8: {  	v3 =	vor.u32 v3, v4  }
0x2c9: {  	v4 =	vperm.xlane v3, v0;
	_ =	sdelay $0x1  }
0x2ca: {  	v4 =	vadd.s32 v1, v4;
	_ =	sdelay $0x1  }
0x2cb: {  	v3 =	vperm.xlane v3, v2;
	_ =	sdelay $0x1  }
0x2cc: {  	s28 =	simm.s32 $0xE300;
	v3 =	vadd.s32 v1, v3  }
0x2cd: {  	[tilespmem:s28], [sflag:$0x2] =	stream.indirect_vreg.gather [hbm4b:s4+s2], $0x80, v4, vm0, $0xb8;
	[tilespmem:$0x18300] =	vst v63  }
0x2ce: {  	s29 =	simm.s32 $0xEB00  }
0x2cf: {  	[tilespmem:s29], [sflag:$0x2] =	stream.indirect_vreg.gather [hbm4b:s5+s2], $0x80, v4, vm0, $0xb8;
	[tilespmem:$0x18300] =	vst v63  }
0x2d0: {  	s30 =	simm.s32 $0xF300  }
0x2d1: {  	[tilespmem:s30], [sflag:$0x2] =	stream.indirect_vreg.gather [hbm4b:s4+s2], $0x80, v3, vm0, $0xb8;
	[tilespmem:$0x18300] =	vst v63  }
0x2d2: {  	s14 =	simm.s32 $0xFB00  }
0x2d3: {  	[tilespmem:s14], [sflag:$0x2] =	stream.indirect_vreg.gather [hbm4b:s5+s2], $0x80, v3, vm0, $0xb8;
	[tilespmem:$0x18300] =	vst v63  }
0x2d4: {  	v3 =	vld [tilespmem:$0x2C0];
	_ =	sdelay $0x4  }
0x2d5: {  	v60 =	vshll.u32 v3, $0x2  }
0x2d6: {  	v3 =	vand.u32 $0x7, v3;
	v4 =	vand.u32 $0xFFFFFFE0, v60  }
0x2d7: {  	v3 =	vor.u32 v3, v4  }
0x2d8: {  	v4 =	vperm.xlane v3, v0;
	_ =	sdelay $0x1  }
0x2d9: {  	v4 =	vadd.s32 v1, v4;
	_ =	sdelay $0x1  }
0x2da: {  	v3 =	vperm.xlane v3, v2;
	_ =	sdelay $0x1  }
0x2db: {  	s12 =	simm.s32 $0x10300;
	v3 =	vadd.s32 v1, v3  }
0x2dc: {  	[tilespmem:s12], [sflag:$0x2] =	stream.indirect_vreg.gather [hbm4b:s4+s2], $0x80, v4, vm0, $0xb8;
	[tilespmem:$0x18300] =	vst v63  }
0x2dd: {  	s13 =	simm.s32 $0x10B00  }
0x2de: {  	[tilespmem:s13], [sflag:$0x2] =	stream.indirect_vreg.gather [hbm4b:s5+s2], $0x80, v4, vm0, $0xb8;
	[tilespmem:$0x18300] =	vst v63  }
0x2df: {  	s16 =	simm.s32 $0x11300  }
0x2e0: {  	[tilespmem:s16], [sflag:$0x2] =	stream.indirect_vreg.gather [hbm4b:s4+s2], $0x80, v3, vm0, $0xb8;
	[tilespmem:$0x18300] =	vst v63  }
0x2e1: {  	s15 =	simm.s32 $0x11B00  }
0x2e2: {  	[tilespmem:s15], [sflag:$0x2] =	stream.indirect_vreg.gather [hbm4b:s5+s2], $0x80, v3, vm0, $0xb8;
	[tilespmem:$0x18300] =	vst v63  }
0x2e3: {  	v3 =	vld [tilespmem:$0x2D0];
	_ =	sdelay $0x4  }
0x2e4: {  	v61 =	vshll.u32 v3, $0x2  }
0x2e5: {  	v3 =	vand.u32 $0x7, v3;
	v4 =	vand.u32 $0xFFFFFFE0, v61  }
0x2e6: {  	v3 =	vor.u32 v3, v4  }
0x2e7: {  	v4 =	vperm.xlane v3, v0;
	_ =	sdelay $0x1  }
0x2e8: {  	v4 =	vadd.s32 v1, v4;
	_ =	sdelay $0x1  }
0x2e9: {  	v3 =	vperm.xlane v3, v2;
	_ =	sdelay $0x1  }
0x2ea: {  	s17 =	simm.s32 $0x12300;
	v3 =	vadd.s32 v1, v3  }
0x2eb: {  	[tilespmem:s17], [sflag:$0x2] =	stream.indirect_vreg.gather [hbm4b:s4+s2], $0x80, v4, vm0, $0xb8;
	[tilespmem:$0x18300] =	vst v63  }
0x2ec: {  	s18 =	simm.s32 $0x12B00  }
0x2ed: {  	[tilespmem:s18], [sflag:$0x2] =	stream.indirect_vreg.gather [hbm4b:s5+s2], $0x80, v4, vm0, $0xb8;
	[tilespmem:$0x18300] =	vst v63  }
0x2ee: {  	s19 =	simm.s32 $0x13300  }
0x2ef: {  	[tilespmem:s19], [sflag:$0x2] =	stream.indirect_vreg.gather [hbm4b:s4+s2], $0x80, v3, vm0, $0xb8;
	[tilespmem:$0x18300] =	vst v63  }
0x2f0: {  	s26 =	simm.s32 $0x13B00  }
0x2f1: {  	[tilespmem:s26], [sflag:$0x2] =	stream.indirect_vreg.gather [hbm4b:s5+s2], $0x80, v3, vm0, $0xb8;
	[tilespmem:$0x18300] =	vst v63  }
0x2f2: {  	v3 =	vld [tilespmem:$0x2E0];
	_ =	sdelay $0x4  }
0x2f3: {  	v62 =	vshll.u32 v3, $0x2  }
0x2f4: {  	v3 =	vand.u32 $0x7, v3;
	v4 =	vand.u32 $0xFFFFFFE0, v62  }
0x2f5: {  	v3 =	vor.u32 v3, v4  }
0x2f6: {  	v4 =	vperm.xlane v3, v0;
	_ =	sdelay $0x1  }
0x2f7: {  	v4 =	vadd.s32 v1, v4;
	_ =	sdelay $0x1  }
0x2f8: {  	v3 =	vperm.xlane v3, v2;
	_ =	sdelay $0x1  }
0x2f9: {  	s20 =	simm.s32 $0x14300;
	v3 =	vadd.s32 v1, v3  }
0x2fa: {  	[tilespmem:s20], [sflag:$0x2] =	stream.indirect_vreg.gather [hbm4b:s4+s2], $0x80, v4, vm0, $0xb8;
	[tilespmem:$0x18300] =	vst v63  }
0x2fb: {  	s21 =	simm.s32 $0x14B00  }
0x2fc: {  	[tilespmem:s21], [sflag:$0x2] =	stream.indirect_vreg.gather [hbm4b:s5+s2], $0x80, v4, vm0, $0xb8;
	[tilespmem:$0x18300] =	vst v63  }
0x2fd: {  	s22 =	simm.s32 $0x15300  }
0x2fe: {  	[tilespmem:s22], [sflag:$0x2] =	stream.indirect_vreg.gather [hbm4b:s4+s2], $0x80, v3, vm0, $0xb8;
	[tilespmem:$0x18300] =	vst v63  }
0x2ff: {  	s26 =	simm.s32 $0x15B00  }
0x300: {  	[tilespmem:s26], [sflag:$0x2] =	stream.indirect_vreg.gather [hbm4b:s5+s2], $0x80, v3, vm0, $0xb8;
	[tilespmem:$0x18300] =	vst v63  }
0x301: {  	v3 =	vld [tilespmem:$0x2F0];
	_ =	sdelay $0x4  }
0x302: {  	v63 =	vshll.u32 v3, $0x2  }
0x303: {  	v3 =	vand.u32 $0x7, v3;
	v4 =	vand.u32 $0xFFFFFFE0, v63  }
0x304: {  	v3 =	vor.u32 v3, v4  }
0x305: {  	v4 =	vperm.xlane v3, v0;
	_ =	sdelay $0x1  }
0x306: {  	v4 =	vadd.s32 v1, v4;
	_ =	sdelay $0x1  }
0x307: {  	v3 =	vperm.xlane v3, v2;
	_ =	sdelay $0x1  }
0x308: {  	s23 =	simm.s32 $0x16300;
	v3 =	vadd.s32 v1, v3  }
0x309: {  	[tilespmem:s23], [sflag:$0x2] =	stream.indirect_vreg.gather [hbm4b:s4+s2], $0x80, v4, vm0, $0xb8;
	[tilespmem:$0x18300] =	vst v63  }
0x30a: {  	s24 =	simm.s32 $0x16B00  }
0x30b: {  	[tilespmem:s24], [sflag:$0x2] =	stream.indirect_vreg.gather [hbm4b:s5+s2], $0x80, v4, vm0, $0xb8;
	[tilespmem:$0x18300] =	vst v63  }
0x30c: {  	s25 =	simm.s32 $0x17300  }
0x30d: {  	[tilespmem:s25], [sflag:$0x2] =	stream.indirect_vreg.gather [hbm4b:s4+s2], $0x80, v3, vm0, $0xb8;
	[tilespmem:$0x18300] =	vst v63  }
0x30e: {  	s28 =	simm.s32 $0x17B00  }
0x30f: {  	[tilespmem:s28], [sflag:$0x2] =	stream.indirect_vreg.gather [hbm4b:s5+s2], $0x80, v3, vm0, $0xb8;
	[tilespmem:$0x18300] =	vst v63  }
0x310: {  	_ =	swait.ge [sflag:s31], $0xC000  }
0x311: {  	[sflag:s31] =	ssyncset.done $0x0  }
0x312: {  	s29 =	rddreg [dreg:$0x8];
	[sflag:s31] =	ssyncadd.s32 $0xFFFF4000  }
0x313: {  	[hbm4b:s29+s2] =	stream.linear.scatter [tilespmem:s8], [sflag:$0x3], $0xC000, $0x38;
	[tilespmem:$0x18300] =	vst v63  }
0x314: {  	_ =	swait.ge [sflag:s3], $0xC000  }
0x315: {  	[sflag:s3] =	ssyncset.done $0x0  }
0x316: {  	s30 =	rddreg [dreg:$0x9];
	[sflag:s3] =	ssyncadd.s32 $0xFFFF4000  }
0x317: {  	[hbm4b:s30+s2] =	stream.linear.scatter [tilespmem:s0], [sflag:$0x4], $0xC000, $0x38;
	[tilespmem:$0x18300] =	vst v63  }
0x318: {  	p0 =	sne.s32 s6, $0x1;
	_ =	swait.ge [sflag:s1], $0xC000  }
.Ltmp0:
0x319: {  	[sflag:s1] =	ssyncset.done $0x0;
	(pc) =	sbr.rel @p0 .LBB2_1-.Ltmp0, $4  }
0x31a: {  	[sflag:s1] =	ssyncadd.s32 $0xFFFF4000  }
0x31b: {  	_ =	swait.ge [sflag:s7], $0xC000  }
0x31c: {  	[sflag:s7] =	ssyncset.done $0x0  }
0x31d: {  	s6 =	sadd.s32 $0xFFFFFFFF, s6;
	[sflag:s7] =	ssyncadd.s32 $0xFFFF4000  }
0x31e: {  	_ =	sfence.sel $0x180000  }
0x31f: {  	[bflag:$0x0] =	sbarrier.arrive $0xFFFF  }
0x320: {  	_ =	strace $0x90000047  }
0x321: {  	s0 =	stileid.u32;
	[bflag:$0x2] =	sbarrier.arrive $0xFFFF  }
0x322: {  	p0 =	sne.s32 s0, $0x0;
	s0 =	rddreg [dreg:$0x1]  }
0x323: {  	s0 =	sadd.s32 @!p0 $0x100000, s0  }
0x324: {  	[sflag:s0] =	ssyncadd.tile.s32 @!p0 $0x1;
	_ =	shalt  }
.Lfunc_end2:
_tile_overlayer_lowered:
.L_overlay_start_2:
0x325: {  	(tag) =	ssettag $0x2  }
0x326: {  	s0 =	rddreg [dreg:$0x0];
	s2 =	stileid.u32  }
0x327: {  	s1 =	rddreg [dreg:$0x1];
	p0 =	sne.s32 s2, $0x0  }
0x328: {  	s3 =	rddreg [dreg:$0x2];
	[bflag:$0x3] =	sbarrier.arrive $0xFFFF;
	s2 =	simm.s32 @!p0 $0x1C05  }
0x329: {  	[timem:s3], [sflag:s2] =	dma.local @!p0 [hbm:s0], s1  }
0x32a: {  	s0 =	simm.s32 @!p0 $0x5  }
0x32b: {  	_ =	swait.ge @!p0 [sflag:s0], s1  }
0x32c: {  	s1 =	ssub.s32 @!p0 $0x0, s1;
	[sflag:s0] =	ssyncset.done @!p0 $0x0  }
0x32d: {  	[sflag:s0] =	ssyncadd.s32 @!p0 s1  }
0x32e: {  	[bflag:$0x3] =	sbarrier.arrive $0xFFFF  }
0x32f: {  	_ =	shalt  }

</sc_bundles>
